<compile_context>
chip_gen: v7x
topology: tpu7x:2x2x1
jax: 0.10.2.dev20260603
libtpu: 0.0.44.dev20260713+nightly
codegen_flags: <defaults>
</compile_context>

<pallas_src>
import functools

import jax
import jax.numpy as jnp
from jax import lax
from jax.experimental import pallas as pl
from jax.experimental.pallas import tpu as pltpu
from jax.experimental.pallas import tpu_sc as plsc

_N = 10000
_NPAD = 10240
_B = 2
_NC = 1024
_NT = 1024
_DH = 128
_E = 320000
_CB = 128
_RB = 1280

_TILES = 16
_CHUNK = 128
_CT = 157
_PER_TILE = _CT * _CHUNK
_EPC = _PER_TILE * _TILES

_DEGW = 8

_ROWS_PER_TILE = _NPAD // _TILES


@functools.lru_cache(maxsize=None)
def _sc_mesh():
    return plsc.VectorSubcoreMesh(core_axis_name="c", subcore_axis_name="s")


@functools.lru_cache(maxsize=None)
def _build_scatter_sc():
    return functools.partial(
        pl.kernel,
        out_type=jax.ShapeDtypeStruct((_B * _NPAD, _DH), jnp.float32),
        mesh=_sc_mesh(),
        scratch_types=[
            pltpu.VMEM((_CHUNK,), jnp.int32),
            pltpu.VMEM((_CHUNK,), jnp.int32),
            pltpu.VMEM((_CHUNK, _DH), jnp.float32),
            pltpu.VMEM_SHARED((_NPAD, _DH), jnp.float32),
            pltpu.SemaphoreType.DMA,
        ],
    )(_scatter_body)


def _scatter_body(y_hbm, srcg_hbm, dstl_hbm, out_hbm, src_v, dst_v, rows_v,
                  acc_sh, sem):
    c = lax.axis_index("c")
    s = lax.axis_index("s")
    r0 = s * _ROWS_PER_TILE
    pltpu.sync_copy(y_hbm.at[pl.ds(c * _NPAD + r0, _ROWS_PER_TILE)],
                    acc_sh.at[pl.ds(r0, _ROWS_PER_TILE)])
    plsc.subcore_barrier()
    base = s * _PER_TILE

    def body(j, carry):
        off = base + j * _CHUNK
        pltpu.sync_copy(srcg_hbm.at[c, pl.ds(off, _CHUNK)], src_v)
        pltpu.sync_copy(dstl_hbm.at[pl.ds(off, _CHUNK)], dst_v)
        pltpu.async_copy(y_hbm.at[src_v], rows_v, sem).wait()
        pltpu.sync_copy(rows_v, acc_sh.at[dst_v], add=True)
        return carry

    lax.fori_loop(0, _CT, body, 0)
    plsc.subcore_barrier()
    pltpu.sync_copy(acc_sh.at[pl.ds(r0, _ROWS_PER_TILE)],
                    out_hbm.at[pl.ds(c * _NPAD + r0, _ROWS_PER_TILE)])


def _scatter_sc(y, src_g, dst_l):
    return _build_scatter_sc()(y, src_g, dst_l)



def _masked_softmax_scores(x, pt):
    xsq = jnp.sum(x * x, axis=1, keepdims=True)
    psq = jnp.sum(pt * pt, axis=0, keepdims=True)
    logits = 2.0 * jnp.dot(x, pt, preferred_element_type=jnp.float32) - xsq - psq
    col = lax.broadcasted_iota(jnp.int32, logits.shape, 1)
    logits = jnp.where(col < _N, logits, -1e30)
    m = jnp.max(logits, axis=1, keepdims=True)
    p = jnp.exp(logits - m)
    return p / jnp.sum(p, axis=1, keepdims=True)


def _assign_body(xc_ref, yc_ref, pt_ref, w0x_ref, w0y_ref, b0_ref, w1_ref,
                 b1_ref, w2_ref, b2_ref, out_ref):
    cb = pl.program_id(1)
    x = xc_ref[0]
    y = yc_ref[0]
    h = jnp.dot(x, w0x_ref[...], preferred_element_type=jnp.float32) \
        + jnp.dot(y, w0y_ref[...], preferred_element_type=jnp.float32) \
        + b0_ref[...]
    h = jnp.maximum(h, 0.0)
    h = jnp.maximum(jnp.dot(h, w1_ref[...], preferred_element_type=jnp.float32)
                    + b1_ref[...], 0.0)
    emb = jnp.dot(h, w2_ref[...], preferred_element_type=jnp.float32) + b2_ref[...]
    sc = _masked_softmax_scores(x, pt_ref[...])
    contrib = lax.dot_general(sc, emb, (((0,), (0,)), ((), ())),
                              preferred_element_type=jnp.float32)

    @pl.when(cb == 0)
    def _():
        out_ref[...] = jnp.zeros_like(out_ref)

    out_ref[0] += contrib


_assign = pl.pallas_call(
    _assign_body,
    grid=(_B, _NC // _CB),
    in_specs=[
        pl.BlockSpec((1, _CB, 3), lambda b, c: (b, c, 0)),
        pl.BlockSpec((1, _CB, 4), lambda b, c: (b, c, 0)),
        pl.BlockSpec((3, _NPAD), lambda b, c: (0, 0)),
        pl.BlockSpec((3, _DH), lambda b, c: (0, 0)),
        pl.BlockSpec((4, _DH), lambda b, c: (0, 0)),
        pl.BlockSpec((1, _DH), lambda b, c: (0, 0)),
        pl.BlockSpec((_DH, _DH), lambda b, c: (0, 0)),
        pl.BlockSpec((1, _DH), lambda b, c: (0, 0)),
        pl.BlockSpec((_DH, _DH), lambda b, c: (0, 0)),
        pl.BlockSpec((1, _DH), lambda b, c: (0, 0)),
    ],
    out_specs=pl.BlockSpec((1, _NPAD, _DH), lambda b, c: (b, 0, 0)),
    out_shape=jax.ShapeDtypeStruct((_B, _NPAD, _DH), jnp.float32),
)


def _dinv_block(deg_ref):
    return lax.rsqrt(deg_ref[0, :, 0:1])


def _make_step(with_post):
    def body(z_ref, deg_ref, pos_ref, wx_ref, wp_ref, bias_ref, out_ref):
        dinv = _dinv_block(deg_ref)
        x = z_ref[0]
        if with_post:
            x = dinv * x + bias_ref[...]
        y = jnp.dot(x, wx_ref[...], preferred_element_type=jnp.float32) \
            + jnp.dot(pos_ref[...], wp_ref[...], preferred_element_type=jnp.float32)
        out_ref[0] = dinv * y

    return pl.pallas_call(
        body,
        grid=(_B, _NPAD // _RB),
        in_specs=[
            pl.BlockSpec((1, _RB, _DH), lambda b, n: (b, n, 0)),
            pl.BlockSpec((1, _RB, _DEGW), lambda b, n: (0, n, 0)),
            pl.BlockSpec((_RB, 3), lambda b, n: (n, 0)),
            pl.BlockSpec((_DH, _DH), lambda b, n: (0, 0)),
            pl.BlockSpec((3, _DH), lambda b, n: (0, 0)),
            pl.BlockSpec((1, _DH), lambda b, n: (0, 0)),
        ],
        out_specs=pl.BlockSpec((1, _RB, _DH), lambda b, n: (b, n, 0)),
        out_shape=jax.ShapeDtypeStruct((_B, _NPAD, _DH), jnp.float32),
    )


_pre0 = _make_step(False)
_step = _make_step(True)


def _decode_body(xt_ref, z_ref, deg_ref, pt_ref, gb_ref, w0z_ref, w0x_ref,
                 b0_ref, w1_ref, b1_ref, w2_ref, b2_ref, out_ref):
    x = xt_ref[0]
    dinv = _dinv_block(deg_ref)
    lat = dinv * z_ref[0] + gb_ref[...]
    st = _masked_softmax_scores(x, pt_ref[...])
    z = jnp.dot(st, lat, preferred_element_type=jnp.float32)
    h = jnp.dot(z, w0z_ref[...], preferred_element_type=jnp.float32) \
        + jnp.dot(x, w0x_ref[...], preferred_element_type=jnp.float32) \
        + b0_ref[...]
    h = jnp.maximum(h, 0.0)
    h = jnp.maximum(jnp.dot(h, w1_ref[...], preferred_element_type=jnp.float32)
                    + b1_ref[...], 0.0)
    out_ref[0] = jnp.dot(h, w2_ref[...], preferred_element_type=jnp.float32) \
        + b2_ref[...]


_decode = pl.pallas_call(
    _decode_body,
    grid=(_B, _NT // _CB),
    in_specs=[
        pl.BlockSpec((1, _CB, 3), lambda b, t: (b, t, 0)),
        pl.BlockSpec((1, _NPAD, _DH), lambda b, t: (b, 0, 0)),
        pl.BlockSpec((1, _NPAD, _DEGW), lambda b, t: (0, 0, 0)),
        pl.BlockSpec((3, _NPAD), lambda b, t: (0, 0)),
        pl.BlockSpec((1, _DH), lambda b, t: (0, 0)),
        pl.BlockSpec((_DH, _DH), lambda b, t: (0, 0)),
        pl.BlockSpec((3, _DH), lambda b, t: (0, 0)),
        pl.BlockSpec((1, _DH), lambda b, t: (0, 0)),
        pl.BlockSpec((_DH, _DH), lambda b, t: (0, 0)),
        pl.BlockSpec((1, _DH), lambda b, t: (0, 0)),
        pl.BlockSpec((_DH, _DH), lambda b, t: (0, 0)),
        pl.BlockSpec((1, _DH), lambda b, t: (0, 0)),
    ],
    out_specs=pl.BlockSpec((1, _CB, _DH), lambda b, t: (b, t, 0)),
    out_shape=jax.ShapeDtypeStruct((_B, _NT, _DH), jnp.float32),
)



def kernel(xc, yc, xt, pos, edge_index, enc_w0, enc_b0, enc_w1, enc_b1,
           enc_w2, enc_b2, gcn_w, gcn_b, dec_w0, dec_b0, dec_w1, dec_b1,
           dec_w2, dec_b2):
    f32 = jnp.float32
    pos_p = jnp.pad(pos, ((0, _NPAD - _N), (0, 0)))
    pos_t = pos_p.T

    src = edge_index[0].astype(jnp.int32)
    dst = edge_index[1].astype(jnp.int32)
    pad_e = _EPC - _E
    src_pad = jnp.concatenate([src, jnp.zeros((pad_e,), jnp.int32)])
    src_g = src_pad[None, :] + (jnp.arange(_B, dtype=jnp.int32) * _NPAD)[:, None]
    dst_l = jnp.concatenate([dst, jnp.full((pad_e,), _N, jnp.int32)])

    degz = _scatter_sc(jnp.ones((_B * _NPAD, _DH), f32), src_g, dst_l)
    deg = degz[:_NPAD, :_DEGW].reshape(1, _NPAD, _DEGW)

    lat = _assign(xc, yc, pos_t, enc_w0[:3], enc_w0[3:],
                  enc_b0.reshape(1, -1), enc_w1, enc_b1.reshape(1, -1),
                  enc_w2, enc_b2.reshape(1, -1))

    wx = gcn_w[:_DH]
    wp = gcn_w[_DH:]
    gb = gcn_b.reshape(1, -1)
    y = _pre0(lat, deg, pos_p, wx, wp, gb)
    z = None
    for i in range(3):
        z = _scatter_sc(y.reshape(_B * _NPAD, _DH), src_g, dst_l)
        z = z.reshape(_B, _NPAD, _DH)
        if i < 2:
            y = _step(z, deg, pos_p, wx, wp, gb)

    w2p = jnp.pad(dec_w2, ((0, 0), (0, _DH - dec_w2.shape[1])))
    b2p = jnp.pad(dec_b2, (0, _DH - dec_b2.shape[0])).reshape(1, -1)
    out = _decode(xt, z, deg, pos_t, gb, dec_w0[:_DH], dec_w0[_DH:],
                  dec_b0.reshape(1, -1), dec_w1, dec_b1.reshape(1, -1),
                  w2p, b2p)
    return out[:, :, :4]

# --- scband reference (transcript-rebuilt; emitter-appended) ---
"""Pipeline reference for scband-genpyg-14087492730938 (READ-ONLY COPY).

The authoritative reference and input builder live on the scoring server;
editing this copy changes nothing except your own understanding.
"""

import jax, jax.numpy as jnp
import numpy as np

N = 10000
E = 320000
B = 2
NC = 1024
NT = 1024
DX = 3
DYC = 4
DYT = 4
DH = 128
STEPS = 3


def _lin(k, fi, fo):
    s = 1.0 / np.sqrt(fi)
    kw, kb = jax.random.split(k)
    w = jax.random.uniform(kw, (fi, fo), minval=-s, maxval=s, dtype=jnp.float32)
    b = jax.random.uniform(kb, (fo,), minval=-s, maxval=s, dtype=jnp.float32)
    return w, b


def setup_inputs(seed: int = 0) -> dict:
    key = jax.random.key(seed)
    ks = jax.random.split(key, 16)
    inp = {}
    inp['xc'] = jax.random.normal(ks[0], (B, NC, DX), dtype=jnp.float32)
    inp['yc'] = jax.random.normal(ks[1], (B, NC, DYC), dtype=jnp.float32)
    inp['xt'] = jax.random.normal(ks[2], (B, NT, DX), dtype=jnp.float32)
    inp['pos'] = jax.random.normal(ks[3], (N, DX), dtype=jnp.float32)
    inp['edge_index'] = jax.random.randint(ks[4], (2, E), 0, N, dtype=jnp.int32)
    enc_dims = [DX + DYC, DH, DH, DH]
    for i in range(3):
        w, b = _lin(ks[5 + i], enc_dims[i], enc_dims[i + 1])
        inp['enc_w%d' % i] = w
        inp['enc_b%d' % i] = b
    w, b = _lin(ks[8], DH + DX, DH)
    inp['gcn_w'] = w
    inp['gcn_b'] = b
    dec_dims = [DH + DX, DH, DH, DYT]
    for i in range(3):
        w, b = _lin(ks[9 + i], dec_dims[i], dec_dims[i + 1])
        inp['dec_w%d' % i] = w
        inp['dec_b%d' % i] = b
    return inp


def _mlp(x, params):
    n = len(params)
    for i, (w, b) in enumerate(params):
        x = x @ w + b
        if i < n - 1:
            x = jax.nn.relu(x)
    return x


def _scores(x, pos):
    # softmax over graph nodes of negative squared distance (soft assignment)
    d2 = (jnp.sum(x * x, axis=-1)[:, :, None]
          + jnp.sum(pos * pos, axis=-1)[None, None, :]
          - 2.0 * jnp.einsum('bcd,nd->bcn', x, pos))
    return jax.nn.softmax(-d2, axis=-1)


def _gcn(x, src, dst, w, b, n):
    # GCNConv: add self loops, symmetric degree normalization, linear, scatter-add
    xw = x @ w
    deg = jnp.zeros((n,), jnp.float32).at[dst].add(1.0)
    dinv = jnp.where(deg > 0, jax.lax.rsqrt(deg), 0.0)
    coef = (dinv[src] * dinv[dst])[:, None]
    out = jnp.zeros((n, w.shape[1]), jnp.float32).at[dst].add(xw[src] * coef)
    return out + b


def reference(xc, yc, xt, pos, edge_index, enc_w0, enc_b0, enc_w1, enc_b1, enc_w2, enc_b2, gcn_w, gcn_b, dec_w0, dec_b0, dec_w1, dec_b1, dec_w2, dec_b2):
    enc = [(enc_w0, enc_b0), (enc_w1, enc_b1), (enc_w2, enc_b2)]
    dec = [(dec_w0, dec_b0), (dec_w1, dec_b1), (dec_w2, dec_b2)]
    b_sz = xc.shape[0]
    sc = _scores(xc, pos)                                  # [B, NC, N]
    emb = _mlp(jnp.concatenate([xc, yc], axis=-1), enc)    # [B, NC, DH]
    latents = jnp.einsum('bcn,bch->bnh', sc, emb)          # [B, N, DH]
    x = latents.reshape(b_sz * N, DH)
    pos_b = jnp.tile(pos, (b_sz, 1))                       # [B*N, DX]
    offs = (jnp.arange(b_sz, dtype=edge_index.dtype) * N)[None, :, None]
    ei = (edge_index[:, None, :] + offs).reshape(2, -1)    # batched disjoint graphs
    loop = jnp.arange(b_sz * N, dtype=ei.dtype)            # self loops
    src = jnp.concatenate([ei[0], loop])
    dst = jnp.concatenate([ei[1], loop])
    for _ in range(STEPS):  # share_blocks=True -> same weights every step
        x = _gcn(jnp.concatenate([x, pos_b], axis=-1), src, dst, gcn_w, gcn_b, b_sz * N)
    latents = x.reshape(b_sz, N, DH)
    st = _scores(xt, pos)                                  # [B, NT, N]
    z = jnp.einsum('btn,bnh->bth', st, latents)            # [B, NT, DH]
    z = jnp.concatenate([z, xt], axis=-1)
    return _mlp(z, dec)                                    # [B, NT, DYT]

if __name__ == "__main__":
    import jax
    _d = setup_inputs()
    print(jax.jit(kernel)(*tuple(_d.values())))

</pallas_src>

<mosaic_0001>
#map = affine_map<(d0, d1) -> (0, 0)>
#map1 = affine_map<(d0, d1) -> (0)>
module attributes {stable_mosaic.version = 14 : i64} {
  func.func @_scatter_body(%arg0: i32, %arg1: i32, %arg2: memref<20480x128xf32, #tpu.memory_space<hbm>>, %arg3: memref<2x321536xi32, #tpu.memory_space<hbm>>, %arg4: memref<321536xi32, #tpu.memory_space<hbm>>, %arg5: memref<20480x128xf32, #tpu.memory_space<hbm>>, %arg6: memref<128xi32, #tpu.memory_space<vmem>>, %arg7: memref<128xi32, #tpu.memory_space<vmem>>, %arg8: memref<128x128xf32, #tpu.memory_space<vmem>>, %arg9: memref<10240x128xf32, #tpu.memory_space<vmem_shared>>, %arg10: memref<!tpu.dma_semaphore, #tpu.memory_space<semaphore_mem>>) attributes {dimension_semantics = [#tpu.dimension_semantics<core_parallel>, #tpu.dimension_semantics<subcore_parallel>], iteration_bounds = array<i64: 2, 16>, scalar_prefetch = 0 : i64, scratch_operands = 5 : i64, tpu.core_type = #tpu.core_type<sc_vector_subcore>, window_params = [{transform_indices = #map}, {transform_indices = #map}, {transform_indices = #map1}, {transform_indices = #map}]} {
    %mul3A = arith.constant 640 : i32
    %mul3A_0 = arith.muli %arg1, %mul3A : i32
    %mul3A_1 = arith.constant 10240 : i32
    %mul3A_2 = arith.muli %arg0, %mul3A_1 : i32
    %add3A = arith.addi %mul3A_2, %mul3A_0 : i32
    "tpu.region"() ({
      %run_scoped3A = tpu.sem_alloc : memref<!tpu.dma_semaphore, #tpu.memory_space<semaphore_mem>>
      %dma_start3A = arith.constant 0 : i32
      %dma_start3A_14 = tpu.memref_slice %arg9[%mul3A_0, %dma_start3A] : memref<10240x128xf32, #tpu.memory_space<vmem_shared>> -> memref<640x128xf32, #tpu.memory_space<vmem_shared>>
      %dma_start3A_15 = arith.constant 0 : i32
      %dma_start3A_16 = tpu.memref_slice %arg2[%add3A, %dma_start3A_15] : memref<20480x128xf32, #tpu.memory_space<hbm>> -> memref<640x128xf32, #tpu.memory_space<hbm>>
      tpu.enqueue_dma source(%dma_start3A_16 : memref<640x128xf32, #tpu.memory_space<hbm>>) target(%dma_start3A_14 : memref<640x128xf32, #tpu.memory_space<vmem_shared>>) target_semaphore(%run_scoped3A : memref<!tpu.dma_semaphore, #tpu.memory_space<semaphore_mem>>)
      %dma_wait3A = arith.constant 0 : i32
      %dma_wait3A_17 = tpu.memref_slice %arg9[%mul3A_0, %dma_wait3A] : memref<10240x128xf32, #tpu.memory_space<vmem_shared>> -> memref<640x128xf32, #tpu.memory_space<vmem_shared>>
      %dma_wait3A_18 = arith.constant 0 : i32
      %dma_wait3A_19 = tpu.memref_slice %arg2[%add3A, %dma_wait3A_18] : memref<20480x128xf32, #tpu.memory_space<hbm>> -> memref<640x128xf32, #tpu.memory_space<hbm>>
      tpu.wait_dma2 semaphore(%run_scoped3A : memref<!tpu.dma_semaphore, #tpu.memory_space<semaphore_mem>>) src(%dma_wait3A_19 : memref<640x128xf32, #tpu.memory_space<hbm>>) dst(%dma_wait3A_17 : memref<640x128xf32, #tpu.memory_space<vmem_shared>>)
      tpu.yield
    }) : () -> ()
    %barrier3A = arith.constant 0 : index
    tpu.barrier barrier_id(%barrier3A)
    %mul3A_3 = arith.constant 20096 : i32
    %mul3A_4 = arith.muli %arg1, %mul3A_3 : i32
    %scan3A = arith.constant 0 : i32
    %scan3A_5 = arith.constant 0 : i32
    %scan3A_6 = arith.constant 157 : i32
    %scan3A_7 = arith.addi %scan3A_5, %scan3A_6 : i32
    %scan3A_8 = arith.constant 1 : i32
    scf.for %scan3A_14 = %scan3A_5 to %scan3A_7 step %scan3A_8  : i32 {
      %mul3A_15 = arith.constant 128 : i32
      %mul3A_16 = arith.muli %scan3A_14, %mul3A_15 : i32
      %add3A_17 = arith.addi %mul3A_4, %mul3A_16 : i32
      "tpu.region"() ({
        %run_scoped3A = tpu.sem_alloc : memref<!tpu.dma_semaphore, #tpu.memory_space<semaphore_mem>>
        %dma_start3A_22 = tpu.memref_slice %arg3[%arg0, %add3A_17] : memref<2x321536xi32, #tpu.memory_space<hbm>> -> memref<1x128xi32, #tpu.memory_space<hbm>>
        %dma_start3A_23 = tpu.memref_squeeze %dma_start3A_22 : memref<1x128xi32, #tpu.memory_space<hbm>> -> memref<128xi32, #tpu.memory_space<hbm>>
        %dma_start3A_24 = tpu.memref_slice %arg3[%arg0, %add3A_17] : memref<2x321536xi32, #tpu.memory_space<hbm>> -> memref<1x128xi32, #tpu.memory_space<hbm>>
        %dma_start3A_25 = tpu.memref_squeeze %dma_start3A_24 : memref<1x128xi32, #tpu.memory_space<hbm>> -> memref<128xi32, #tpu.memory_space<hbm>>
        tpu.enqueue_dma source(%dma_start3A_25 : memref<128xi32, #tpu.memory_space<hbm>>) target(%arg6 : memref<128xi32, #tpu.memory_space<vmem>>) target_semaphore(%run_scoped3A : memref<!tpu.dma_semaphore, #tpu.memory_space<semaphore_mem>>)
        %dma_wait3A_26 = tpu.memref_slice %arg3[%arg0, %add3A_17] : memref<2x321536xi32, #tpu.memory_space<hbm>> -> memref<1x128xi32, #tpu.memory_space<hbm>>
        %dma_wait3A_27 = tpu.memref_squeeze %dma_wait3A_26 : memref<1x128xi32, #tpu.memory_space<hbm>> -> memref<128xi32, #tpu.memory_space<hbm>>
        %dma_wait3A_28 = tpu.memref_slice %arg3[%arg0, %add3A_17] : memref<2x321536xi32, #tpu.memory_space<hbm>> -> memref<1x128xi32, #tpu.memory_space<hbm>>
        %dma_wait3A_29 = tpu.memref_squeeze %dma_wait3A_28 : memref<1x128xi32, #tpu.memory_space<hbm>> -> memref<128xi32, #tpu.memory_space<hbm>>
        tpu.wait_dma2 semaphore(%run_scoped3A : memref<!tpu.dma_semaphore, #tpu.memory_space<semaphore_mem>>) src(%dma_wait3A_29 : memref<128xi32, #tpu.memory_space<hbm>>) dst(%arg6 : memref<128xi32, #tpu.memory_space<vmem>>)
        tpu.yield
      }) : () -> ()
      "tpu.region"() ({
        %run_scoped3A = tpu.sem_alloc : memref<!tpu.dma_semaphore, #tpu.memory_space<semaphore_mem>>
        %dma_start3A_22 = tpu.memref_slice %arg4[%add3A_17] : memref<321536xi32, #tpu.memory_space<hbm>> -> memref<128xi32, #tpu.memory_space<hbm>>
        %dma_start3A_23 = tpu.memref_slice %arg4[%add3A_17] : memref<321536xi32, #tpu.memory_space<hbm>> -> memref<128xi32, #tpu.memory_space<hbm>>
        tpu.enqueue_dma source(%dma_start3A_23 : memref<128xi32, #tpu.memory_space<hbm>>) target(%arg7 : memref<128xi32, #tpu.memory_space<vmem>>) target_semaphore(%run_scoped3A : memref<!tpu.dma_semaphore, #tpu.memory_space<semaphore_mem>>)
        %dma_wait3A_24 = tpu.memref_slice %arg4[%add3A_17] : memref<321536xi32, #tpu.memory_space<hbm>> -> memref<128xi32, #tpu.memory_space<hbm>>
        %dma_wait3A_25 = tpu.memref_slice %arg4[%add3A_17] : memref<321536xi32, #tpu.memory_space<hbm>> -> memref<128xi32, #tpu.memory_space<hbm>>
        tpu.wait_dma2 semaphore(%run_scoped3A : memref<!tpu.dma_semaphore, #tpu.memory_space<semaphore_mem>>) src(%dma_wait3A_25 : memref<128xi32, #tpu.memory_space<hbm>>) dst(%arg7 : memref<128xi32, #tpu.memory_space<vmem>>)
        tpu.yield
      }) : () -> ()
      %dma_start3A = arith.constant 0 : i32
      %dma_start3A_18 = arith.constant 0 : i32
      %dma_start3A_19 = tpu.memref_slice %arg2[%dma_start3A, %dma_start3A_18] : memref<20480x128xf32, #tpu.memory_space<hbm>> -> memref<20480x128xf32, #tpu.memory_space<hbm>>
      tpu.enqueue_indirect_dma source(%dma_start3A_19 : memref<20480x128xf32, #tpu.memory_space<hbm>>) target(%arg8 : memref<128x128xf32, #tpu.memory_space<vmem>>) offsets(%arg6 : memref<128xi32, #tpu.memory_space<vmem>>) semaphore(%arg10 : memref<!tpu.dma_semaphore, #tpu.memory_space<semaphore_mem>>)
      %dma_wait3A = arith.constant 0 : i32
      %dma_wait3A_20 = arith.constant 0 : i32
      %dma_wait3A_21 = tpu.memref_slice %arg2[%dma_wait3A, %dma_wait3A_20] : memref<20480x128xf32, #tpu.memory_space<hbm>> -> memref<20480x128xf32, #tpu.memory_space<hbm>>
      tpu.wait_indirect_dma semaphore(%arg10 : memref<!tpu.dma_semaphore, #tpu.memory_space<semaphore_mem>>) src(%dma_wait3A_21 : memref<20480x128xf32, #tpu.memory_space<hbm>>) dst(%arg8 : memref<128x128xf32, #tpu.memory_space<vmem>>)
      "tpu.region"() ({
        %run_scoped3A = tpu.sem_alloc : memref<!tpu.dma_semaphore, #tpu.memory_space<semaphore_mem>>
        %dma_start3A_22 = arith.constant 0 : i32
        %dma_start3A_23 = arith.constant 0 : i32
        %dma_start3A_24 = tpu.memref_slice %arg9[%dma_start3A_22, %dma_start3A_23] : memref<10240x128xf32, #tpu.memory_space<vmem_shared>> -> memref<10240x128xf32, #tpu.memory_space<vmem_shared>>
        tpu.enqueue_indirect_dma source(%arg8 : memref<128x128xf32, #tpu.memory_space<vmem>>) target(%dma_start3A_24 : memref<10240x128xf32, #tpu.memory_space<vmem_shared>>) offsets(%arg7 : memref<128xi32, #tpu.memory_space<vmem>>) semaphore(%run_scoped3A : memref<!tpu.dma_semaphore, #tpu.memory_space<semaphore_mem>>) {add = true}
        %dma_wait3A_25 = arith.constant 0 : i32
        %dma_wait3A_26 = arith.constant 0 : i32
        %dma_wait3A_27 = tpu.memref_slice %arg9[%dma_wait3A_25, %dma_wait3A_26] : memref<10240x128xf32, #tpu.memory_space<vmem_shared>> -> memref<10240x128xf32, #tpu.memory_space<vmem_shared>>
        tpu.wait_indirect_dma semaphore(%run_scoped3A : memref<!tpu.dma_semaphore, #tpu.memory_space<semaphore_mem>>) src(%arg8 : memref<128x128xf32, #tpu.memory_space<vmem>>) dst(%dma_wait3A_27 : memref<10240x128xf32, #tpu.memory_space<vmem_shared>>)
        tpu.yield
      }) : () -> ()
    }
    %scan3A_9 = arith.constant 157 : i32
    %barrier3A_10 = arith.constant 0 : index
    tpu.barrier barrier_id(%barrier3A_10)
    %mul3A_11 = arith.constant 10240 : i32
    %mul3A_12 = arith.muli %arg0, %mul3A_11 : i32
    %add3A_13 = arith.addi %mul3A_12, %mul3A_0 : i32
    "tpu.region"() ({
      %run_scoped3A = tpu.sem_alloc : memref<!tpu.dma_semaphore, #tpu.memory_space<semaphore_mem>>
      %dma_start3A = arith.constant 0 : i32
      %dma_start3A_14 = tpu.memref_slice %arg5[%add3A_13, %dma_start3A] : memref<20480x128xf32, #tpu.memory_space<hbm>> -> memref<640x128xf32, #tpu.memory_space<hbm>>
      %dma_start3A_15 = arith.constant 0 : i32
      %dma_start3A_16 = tpu.memref_slice %arg9[%mul3A_0, %dma_start3A_15] : memref<10240x128xf32, #tpu.memory_space<vmem_shared>> -> memref<640x128xf32, #tpu.memory_space<vmem_shared>>
      tpu.enqueue_dma source(%dma_start3A_16 : memref<640x128xf32, #tpu.memory_space<vmem_shared>>) target(%dma_start3A_14 : memref<640x128xf32, #tpu.memory_space<hbm>>) target_semaphore(%run_scoped3A : memref<!tpu.dma_semaphore, #tpu.memory_space<semaphore_mem>>)
      %dma_wait3A = arith.constant 0 : i32
      %dma_wait3A_17 = tpu.memref_slice %arg5[%add3A_13, %dma_wait3A] : memref<20480x128xf32, #tpu.memory_space<hbm>> -> memref<640x128xf32, #tpu.memory_space<hbm>>
      %dma_wait3A_18 = arith.constant 0 : i32
      %dma_wait3A_19 = tpu.memref_slice %arg9[%mul3A_0, %dma_wait3A_18] : memref<10240x128xf32, #tpu.memory_space<vmem_shared>> -> memref<640x128xf32, #tpu.memory_space<vmem_shared>>
      tpu.wait_dma2 semaphore(%run_scoped3A : memref<!tpu.dma_semaphore, #tpu.memory_space<semaphore_mem>>) src(%dma_wait3A_19 : memref<640x128xf32, #tpu.memory_space<vmem_shared>>) dst(%dma_wait3A_17 : memref<640x128xf32, #tpu.memory_space<hbm>>)
      tpu.yield
    }) : () -> ()
    return
  }
}

#map = affine_map<(d0, d1) -> (0, 0)>
#map1 = affine_map<(d0, d1) -> (0)>
module attributes {stable_mosaic.version = 14 : i64} {
  func.func @_scatter_body(%arg0: i32, %arg1: i32, %arg2: memref<20480x128xf32, #tpu.memory_space<hbm>>, %arg3: memref<2x321536xi32, #tpu.memory_space<hbm>>, %arg4: memref<321536xi32, #tpu.memory_space<hbm>>, %arg5: memref<20480x128xf32, #tpu.memory_space<hbm>>, %arg6: memref<128xi32, #tpu.memory_space<vmem>>, %arg7: memref<128xi32, #tpu.memory_space<vmem>>, %arg8: memref<128x128xf32, #tpu.memory_space<vmem>>, %arg9: memref<10240x128xf32, #tpu.memory_space<vmem_shared>>, %arg10: memref<!tpu.dma_semaphore, #tpu.memory_space<semaphore_mem>>) attributes {dimension_semantics = [#tpu.dimension_semantics<core_parallel>, #tpu.dimension_semantics<subcore_parallel>], iteration_bounds = array<i64: 2, 16>, scalar_prefetch = 0 : i64, scratch_operands = 5 : i64, tpu.core_type = #tpu.core_type<sc_vector_subcore>, window_params = [{transform_indices = #map}, {transform_indices = #map}, {transform_indices = #map1}, {transform_indices = #map}]} {
    %mul3A = arith.constant 640 : i32
    %mul3A_0 = arith.muli %arg1, %mul3A : i32
    %mul3A_1 = arith.constant 10240 : i32
    %mul3A_2 = arith.muli %arg0, %mul3A_1 : i32
    %add3A = arith.addi %mul3A_2, %mul3A_0 : i32
    "tpu.region"() ({
      %run_scoped3A = tpu.sem_alloc : memref<!tpu.dma_semaphore, #tpu.memory_space<semaphore_mem>>
      %dma_start3A = arith.constant 0 : i32
      %dma_start3A_14 = tpu.memref_slice %arg9[%mul3A_0, %dma_start3A] : memref<10240x128xf32, #tpu.memory_space<vmem_shared>> -> memref<640x128xf32, #tpu.memory_space<vmem_shared>>
      %dma_start3A_15 = arith.constant 0 : i32
      %dma_start3A_16 = tpu.memref_slice %arg2[%add3A, %dma_start3A_15] : memref<20480x128xf32, #tpu.memory_space<hbm>> -> memref<640x128xf32, #tpu.memory_space<hbm>>
      tpu.enqueue_dma source(%dma_start3A_16 : memref<640x128xf32, #tpu.memory_space<hbm>>) target(%dma_start3A_14 : memref<640x128xf32, #tpu.memory_space<vmem_shared>>) target_semaphore(%run_scoped3A : memref<!tpu.dma_semaphore, #tpu.memory_space<semaphore_mem>>)
      %dma_wait3A = arith.constant 0 : i32
      %dma_wait3A_17 = tpu.memref_slice %arg9[%mul3A_0, %dma_wait3A] : memref<10240x128xf32, #tpu.memory_space<vmem_shared>> -> memref<640x128xf32, #tpu.memory_space<vmem_shared>>
      %dma_wait3A_18 = arith.constant 0 : i32
      %dma_wait3A_19 = tpu.memref_slice %arg2[%add3A, %dma_wait3A_18] : memref<20480x128xf32, #tpu.memory_space<hbm>> -> memref<640x128xf32, #tpu.memory_space<hbm>>
      tpu.wait_dma2 semaphore(%run_scoped3A : memref<!tpu.dma_semaphore, #tpu.memory_space<semaphore_mem>>) src(%dma_wait3A_19 : memref<640x128xf32, #tpu.memory_space<hbm>>) dst(%dma_wait3A_17 : memref<640x128xf32, #tpu.memory_space<vmem_shared>>)
      tpu.yield
    }) : () -> ()
    %barrier3A = arith.constant 0 : index
    tpu.barrier barrier_id(%barrier3A)
    %mul3A_3 = arith.constant 20096 : i32
    %mul3A_4 = arith.muli %arg1, %mul3A_3 : i32
    %scan3A = arith.constant 0 : i32
    %scan3A_5 = arith.constant 0 : i32
    %scan3A_6 = arith.constant 157 : i32
    %scan3A_7 = arith.addi %scan3A_5, %scan3A_6 : i32
    %scan3A_8 = arith.constant 1 : i32
    scf.for %scan3A_14 = %scan3A_5 to %scan3A_7 step %scan3A_8  : i32 {
      %mul3A_15 = arith.constant 128 : i32
      %mul3A_16 = arith.muli %scan3A_14, %mul3A_15 : i32
      %add3A_17 = arith.addi %mul3A_4, %mul3A_16 : i32
      "tpu.region"() ({
        %run_scoped3A = tpu.sem_alloc : memref<!tpu.dma_semaphore, #tpu.memory_space<semaphore_mem>>
        %dma_start3A_22 = tpu.memref_slice %arg3[%arg0, %add3A_17] : memref<2x321536xi32, #tpu.memory_space<hbm>> -> memref<1x128xi32, #tpu.memory_space<hbm>>
        %dma_start3A_23 = tpu.memref_squeeze %dma_start3A_22 : memref<1x128xi32, #tpu.memory_space<hbm>> -> memref<128xi32, #tpu.memory_space<hbm>>
        %dma_start3A_24 = tpu.memref_slice %arg3[%arg0, %add3A_17] : memref<2x321536xi32, #tpu.memory_space<hbm>> -> memref<1x128xi32, #tpu.memory_space<hbm>>
        %dma_start3A_25 = tpu.memref_squeeze %dma_start3A_24 : memref<1x128xi32, #tpu.memory_space<hbm>> -> memref<128xi32, #tpu.memory_space<hbm>>
        tpu.enqueue_dma source(%dma_start3A_25 : memref<128xi32, #tpu.memory_space<hbm>>) target(%arg6 : memref<128xi32, #tpu.memory_space<vmem>>) target_semaphore(%run_scoped3A : memref<!tpu.dma_semaphore, #tpu.memory_space<semaphore_mem>>)
        %dma_wait3A_26 = tpu.memref_slice %arg3[%arg0, %add3A_17] : memref<2x321536xi32, #tpu.memory_space<hbm>> -> memref<1x128xi32, #tpu.memory_space<hbm>>
        %dma_wait3A_27 = tpu.memref_squeeze %dma_wait3A_26 : memref<1x128xi32, #tpu.memory_space<hbm>> -> memref<128xi32, #tpu.memory_space<hbm>>
        %dma_wait3A_28 = tpu.memref_slice %arg3[%arg0, %add3A_17] : memref<2x321536xi32, #tpu.memory_space<hbm>> -> memref<1x128xi32, #tpu.memory_space<hbm>>
        %dma_wait3A_29 = tpu.memref_squeeze %dma_wait3A_28 : memref<1x128xi32, #tpu.memory_space<hbm>> -> memref<128xi32, #tpu.memory_space<hbm>>
        tpu.wait_dma2 semaphore(%run_scoped3A : memref<!tpu.dma_semaphore, #tpu.memory_space<semaphore_mem>>) src(%dma_wait3A_29 : memref<128xi32, #tpu.memory_space<hbm>>) dst(%arg6 : memref<128xi32, #tpu.memory_space<vmem>>)
        tpu.yield
      }) : () -> ()
      "tpu.region"() ({
        %run_scoped3A = tpu.sem_alloc : memref<!tpu.dma_semaphore, #tpu.memory_space<semaphore_mem>>
        %dma_start3A_22 = tpu.memref_slice %arg4[%add3A_17] : memref<321536xi32, #tpu.memory_space<hbm>> -> memref<128xi32, #tpu.memory_space<hbm>>
        %dma_start3A_23 = tpu.memref_slice %arg4[%add3A_17] : memref<321536xi32, #tpu.memory_space<hbm>> -> memref<128xi32, #tpu.memory_space<hbm>>
        tpu.enqueue_dma source(%dma_start3A_23 : memref<128xi32, #tpu.memory_space<hbm>>) target(%arg7 : memref<128xi32, #tpu.memory_space<vmem>>) target_semaphore(%run_scoped3A : memref<!tpu.dma_semaphore, #tpu.memory_space<semaphore_mem>>)
        %dma_wait3A_24 = tpu.memref_slice %arg4[%add3A_17] : memref<321536xi32, #tpu.memory_space<hbm>> -> memref<128xi32, #tpu.memory_space<hbm>>
        %dma_wait3A_25 = tpu.memref_slice %arg4[%add3A_17] : memref<321536xi32, #tpu.memory_space<hbm>> -> memref<128xi32, #tpu.memory_space<hbm>>
        tpu.wait_dma2 semaphore(%run_scoped3A : memref<!tpu.dma_semaphore, #tpu.memory_space<semaphore_mem>>) src(%dma_wait3A_25 : memref<128xi32, #tpu.memory_space<hbm>>) dst(%arg7 : memref<128xi32, #tpu.memory_space<vmem>>)
        tpu.yield
      }) : () -> ()
      %dma_start3A = arith.constant 0 : i32
      %dma_start3A_18 = arith.constant 0 : i32
      %dma_start3A_19 = tpu.memref_slice %arg2[%dma_start3A, %dma_start3A_18] : memref<20480x128xf32, #tpu.memory_space<hbm>> -> memref<20480x128xf32, #tpu.memory_space<hbm>>
      tpu.enqueue_indirect_dma source(%dma_start3A_19 : memref<20480x128xf32, #tpu.memory_space<hbm>>) target(%arg8 : memref<128x128xf32, #tpu.memory_space<vmem>>) offsets(%arg6 : memref<128xi32, #tpu.memory_space<vmem>>) semaphore(%arg10 : memref<!tpu.dma_semaphore, #tpu.memory_space<semaphore_mem>>)
      %dma_wait3A = arith.constant 0 : i32
      %dma_wait3A_20 = arith.constant 0 : i32
      %dma_wait3A_21 = tpu.memref_slice %arg2[%dma_wait3A, %dma_wait3A_20] : memref<20480x128xf32, #tpu.memory_space<hbm>> -> memref<20480x128xf32, #tpu.memory_space<hbm>>
      tpu.wait_indirect_dma semaphore(%arg10 : memref<!tpu.dma_semaphore, #tpu.memory_space<semaphore_mem>>) src(%dma_wait3A_21 : memref<20480x128xf32, #tpu.memory_space<hbm>>) dst(%arg8 : memref<128x128xf32, #tpu.memory_space<vmem>>)
      "tpu.region"() ({
        %run_scoped3A = tpu.sem_alloc : memref<!tpu.dma_semaphore, #tpu.memory_space<semaphore_mem>>
        %dma_start3A_22 = arith.constant 0 : i32
        %dma_start3A_23 = arith.constant 0 : i32
        %dma_start3A_24 = tpu.memref_slice %arg9[%dma_start3A_22, %dma_start3A_23] : memref<10240x128xf32, #tpu.memory_space<vmem_shared>> -> memref<10240x128xf32, #tpu.memory_space<vmem_shared>>
        tpu.enqueue_indirect_dma source(%arg8 : memref<128x128xf32, #tpu.memory_space<vmem>>) target(%dma_start3A_24 : memref<10240x128xf32, #tpu.memory_space<vmem_shared>>) offsets(%arg7 : memref<128xi32, #tpu.memory_space<vmem>>) semaphore(%run_scoped3A : memref<!tpu.dma_semaphore, #tpu.memory_space<semaphore_mem>>) {add = true}
        %dma_wait3A_25 = arith.constant 0 : i32
        %dma_wait3A_26 = arith.constant 0 : i32
        %dma_wait3A_27 = tpu.memref_slice %arg9[%dma_wait3A_25, %dma_wait3A_26] : memref<10240x128xf32, #tpu.memory_space<vmem_shared>> -> memref<10240x128xf32, #tpu.memory_space<vmem_shared>>
        tpu.wait_indirect_dma semaphore(%run_scoped3A : memref<!tpu.dma_semaphore, #tpu.memory_space<semaphore_mem>>) src(%arg8 : memref<128x128xf32, #tpu.memory_space<vmem>>) dst(%dma_wait3A_27 : memref<10240x128xf32, #tpu.memory_space<vmem_shared>>)
        tpu.yield
      }) : () -> ()
    }
    %scan3A_9 = arith.constant 157 : i32
    %barrier3A_10 = arith.constant 0 : index
    tpu.barrier barrier_id(%barrier3A_10)
    %mul3A_11 = arith.constant 10240 : i32
    %mul3A_12 = arith.muli %arg0, %mul3A_11 : i32
    %add3A_13 = arith.addi %mul3A_12, %mul3A_0 : i32
    "tpu.region"() ({
      %run_scoped3A = tpu.sem_alloc : memref<!tpu.dma_semaphore, #tpu.memory_space<semaphore_mem>>
      %dma_start3A = arith.constant 0 : i32
      %dma_start3A_14 = tpu.memref_slice %arg5[%add3A_13, %dma_start3A] : memref<20480x128xf32, #tpu.memory_space<hbm>> -> memref<640x128xf32, #tpu.memory_space<hbm>>
      %dma_start3A_15 = arith.constant 0 : i32
      %dma_start3A_16 = tpu.memref_slice %arg9[%mul3A_0, %dma_start3A_15] : memref<10240x128xf32, #tpu.memory_space<vmem_shared>> -> memref<640x128xf32, #tpu.memory_space<vmem_shared>>
      tpu.enqueue_dma source(%dma_start3A_16 : memref<640x128xf32, #tpu.memory_space<vmem_shared>>) target(%dma_start3A_14 : memref<640x128xf32, #tpu.memory_space<hbm>>) target_semaphore(%run_scoped3A : memref<!tpu.dma_semaphore, #tpu.memory_space<semaphore_mem>>)
      %dma_wait3A = arith.constant 0 : i32
      %dma_wait3A_17 = tpu.memref_slice %arg5[%add3A_13, %dma_wait3A] : memref<20480x128xf32, #tpu.memory_space<hbm>> -> memref<640x128xf32, #tpu.memory_space<hbm>>
      %dma_wait3A_18 = arith.constant 0 : i32
      %dma_wait3A_19 = tpu.memref_slice %arg9[%mul3A_0, %dma_wait3A_18] : memref<10240x128xf32, #tpu.memory_space<vmem_shared>> -> memref<640x128xf32, #tpu.memory_space<vmem_shared>>
      tpu.wait_dma2 semaphore(%run_scoped3A : memref<!tpu.dma_semaphore, #tpu.memory_space<semaphore_mem>>) src(%dma_wait3A_19 : memref<640x128xf32, #tpu.memory_space<vmem_shared>>) dst(%dma_wait3A_17 : memref<640x128xf32, #tpu.memory_space<hbm>>)
      tpu.yield
    }) : () -> ()
    return
  }
}

#map = affine_map<(d0, d1) -> (0, 0)>
#map1 = affine_map<(d0, d1) -> (0)>
module attributes {stable_mosaic.version = 14 : i64} {
  func.func @_scatter_body(%arg0: i32, %arg1: i32, %arg2: memref<20480x128xf32, #tpu.memory_space<hbm>>, %arg3: memref<2x321536xi32, #tpu.memory_space<hbm>>, %arg4: memref<321536xi32, #tpu.memory_space<hbm>>, %arg5: memref<20480x128xf32, #tpu.memory_space<hbm>>, %arg6: memref<128xi32, #tpu.memory_space<vmem>>, %arg7: memref<128xi32, #tpu.memory_space<vmem>>, %arg8: memref<128x128xf32, #tpu.memory_space<vmem>>, %arg9: memref<10240x128xf32, #tpu.memory_space<vmem_shared>>, %arg10: memref<!tpu.dma_semaphore, #tpu.memory_space<semaphore_mem>>) attributes {dimension_semantics = [#tpu.dimension_semantics<core_parallel>, #tpu.dimension_semantics<subcore_parallel>], iteration_bounds = array<i64: 2, 16>, scalar_prefetch = 0 : i64, scratch_operands = 5 : i64, tpu.core_type = #tpu.core_type<sc_vector_subcore>, window_params = [{transform_indices = #map}, {transform_indices = #map}, {transform_indices = #map1}, {transform_indices = #map}]} {
    %mul3A = arith.constant 640 : i32
    %mul3A_0 = arith.muli %arg1, %mul3A : i32
    %mul3A_1 = arith.constant 10240 : i32
    %mul3A_2 = arith.muli %arg0, %mul3A_1 : i32
    %add3A = arith.addi %mul3A_2, %mul3A_0 : i32
    "tpu.region"() ({
      %run_scoped3A = tpu.sem_alloc : memref<!tpu.dma_semaphore, #tpu.memory_space<semaphore_mem>>
      %dma_start3A = arith.constant 0 : i32
      %dma_start3A_14 = tpu.memref_slice %arg9[%mul3A_0, %dma_start3A] : memref<10240x128xf32, #tpu.memory_space<vmem_shared>> -> memref<640x128xf32, #tpu.memory_space<vmem_shared>>
      %dma_start3A_15 = arith.constant 0 : i32
      %dma_start3A_16 = tpu.memref_slice %arg2[%add3A, %dma_start3A_15] : memref<20480x128xf32, #tpu.memory_space<hbm>> -> memref<640x128xf32, #tpu.memory_space<hbm>>
      tpu.enqueue_dma source(%dma_start3A_16 : memref<640x128xf32, #tpu.memory_space<hbm>>) target(%dma_start3A_14 : memref<640x128xf32, #tpu.memory_space<vmem_shared>>) target_semaphore(%run_scoped3A : memref<!tpu.dma_semaphore, #tpu.memory_space<semaphore_mem>>)
      %dma_wait3A = arith.constant 0 : i32
      %dma_wait3A_17 = tpu.memref_slice %arg9[%mul3A_0, %dma_wait3A] : memref<10240x128xf32, #tpu.memory_space<vmem_shared>> -> memref<640x128xf32, #tpu.memory_space<vmem_shared>>
      %dma_wait3A_18 = arith.constant 0 : i32
      %dma_wait3A_19 = tpu.memref_slice %arg2[%add3A, %dma_wait3A_18] : memref<20480x128xf32, #tpu.memory_space<hbm>> -> memref<640x128xf32, #tpu.memory_space<hbm>>
      tpu.wait_dma2 semaphore(%run_scoped3A : memref<!tpu.dma_semaphore, #tpu.memory_space<semaphore_mem>>) src(%dma_wait3A_19 : memref<640x128xf32, #tpu.memory_space<hbm>>) dst(%dma_wait3A_17 : memref<640x128xf32, #tpu.memory_space<vmem_shared>>)
      tpu.yield
    }) : () -> ()
    %barrier3A = arith.constant 0 : index
    tpu.barrier barrier_id(%barrier3A)
    %mul3A_3 = arith.constant 20096 : i32
    %mul3A_4 = arith.muli %arg1, %mul3A_3 : i32
    %scan3A = arith.constant 0 : i32
    %scan3A_5 = arith.constant 0 : i32
    %scan3A_6 = arith.constant 157 : i32
    %scan3A_7 = arith.addi %scan3A_5, %scan3A_6 : i32
    %scan3A_8 = arith.constant 1 : i32
    scf.for %scan3A_14 = %scan3A_5 to %scan3A_7 step %scan3A_8  : i32 {
      %mul3A_15 = arith.constant 128 : i32
      %mul3A_16 = arith.muli %scan3A_14, %mul3A_15 : i32
      %add3A_17 = arith.addi %mul3A_4, %mul3A_16 : i32
      "tpu.region"() ({
        %run_scoped3A = tpu.sem_alloc : memref<!tpu.dma_semaphore, #tpu.memory_space<semaphore_mem>>
        %dma_start3A_22 = tpu.memref_slice %arg3[%arg0, %add3A_17] : memref<2x321536xi32, #tpu.memory_space<hbm>> -> memref<1x128xi32, #tpu.memory_space<hbm>>
        %dma_start3A_23 = tpu.memref_squeeze %dma_start3A_22 : memref<1x128xi32, #tpu.memory_space<hbm>> -> memref<128xi32, #tpu.memory_space<hbm>>
        %dma_start3A_24 = tpu.memref_slice %arg3[%arg0, %add3A_17] : memref<2x321536xi32, #tpu.memory_space<hbm>> -> memref<1x128xi32, #tpu.memory_space<hbm>>
        %dma_start3A_25 = tpu.memref_squeeze %dma_start3A_24 : memref<1x128xi32, #tpu.memory_space<hbm>> -> memref<128xi32, #tpu.memory_space<hbm>>
        tpu.enqueue_dma source(%dma_start3A_25 : memref<128xi32, #tpu.memory_space<hbm>>) target(%arg6 : memref<128xi32, #tpu.memory_space<vmem>>) target_semaphore(%run_scoped3A : memref<!tpu.dma_semaphore, #tpu.memory_space<semaphore_mem>>)
        %dma_wait3A_26 = tpu.memref_slice %arg3[%arg0, %add3A_17] : memref<2x321536xi32, #tpu.memory_space<hbm>> -> memref<1x128xi32, #tpu.memory_space<hbm>>
        %dma_wait3A_27 = tpu.memref_squeeze %dma_wait3A_26 : memref<1x128xi32, #tpu.memory_space<hbm>> -> memref<128xi32, #tpu.memory_space<hbm>>
        %dma_wait3A_28 = tpu.memref_slice %arg3[%arg0, %add3A_17] : memref<2x321536xi32, #tpu.memory_space<hbm>> -> memref<1x128xi32, #tpu.memory_space<hbm>>
        %dma_wait3A_29 = tpu.memref_squeeze %dma_wait3A_28 : memref<1x128xi32, #tpu.memory_space<hbm>> -> memref<128xi32, #tpu.memory_space<hbm>>
        tpu.wait_dma2 semaphore(%run_scoped3A : memref<!tpu.dma_semaphore, #tpu.memory_space<semaphore_mem>>) src(%dma_wait3A_29 : memref<128xi32, #tpu.memory_space<hbm>>) dst(%arg6 : memref<128xi32, #tpu.memory_space<vmem>>)
        tpu.yield
      }) : () -> ()
      "tpu.region"() ({
        %run_scoped3A = tpu.sem_alloc : memref<!tpu.dma_semaphore, #tpu.memory_space<semaphore_mem>>
        %dma_start3A_22 = tpu.memref_slice %arg4[%add3A_17] : memref<321536xi32, #tpu.memory_space<hbm>> -> memref<128xi32, #tpu.memory_space<hbm>>
        %dma_start3A_23 = tpu.memref_slice %arg4[%add3A_17] : memref<321536xi32, #tpu.memory_space<hbm>> -> memref<128xi32, #tpu.memory_space<hbm>>
        tpu.enqueue_dma source(%dma_start3A_23 : memref<128xi32, #tpu.memory_space<hbm>>) target(%arg7 : memref<128xi32, #tpu.memory_space<vmem>>) target_semaphore(%run_scoped3A : memref<!tpu.dma_semaphore, #tpu.memory_space<semaphore_mem>>)
        %dma_wait3A_24 = tpu.memref_slice %arg4[%add3A_17] : memref<321536xi32, #tpu.memory_space<hbm>> -> memref<128xi32, #tpu.memory_space<hbm>>
        %dma_wait3A_25 = tpu.memref_slice %arg4[%add3A_17] : memref<321536xi32, #tpu.memory_space<hbm>> -> memref<128xi32, #tpu.memory_space<hbm>>
        tpu.wait_dma2 semaphore(%run_scoped3A : memref<!tpu.dma_semaphore, #tpu.memory_space<semaphore_mem>>) src(%dma_wait3A_25 : memref<128xi32, #tpu.memory_space<hbm>>) dst(%arg7 : memref<128xi32, #tpu.memory_space<vmem>>)
        tpu.yield
      }) : () -> ()
      %dma_start3A = arith.constant 0 : i32
      %dma_start3A_18 = arith.constant 0 : i32
      %dma_start3A_19 = tpu.memref_slice %arg2[%dma_start3A, %dma_start3A_18] : memref<20480x128xf32, #tpu.memory_space<hbm>> -> memref<20480x128xf32, #tpu.memory_space<hbm>>
      tpu.enqueue_indirect_dma source(%dma_start3A_19 : memref<20480x128xf32, #tpu.memory_space<hbm>>) target(%arg8 : memref<128x128xf32, #tpu.memory_space<vmem>>) offsets(%arg6 : memref<128xi32, #tpu.memory_space<vmem>>) semaphore(%arg10 : memref<!tpu.dma_semaphore, #tpu.memory_space<semaphore_mem>>)
      %dma_wait3A = arith.constant 0 : i32
      %dma_wait3A_20 = arith.constant 0 : i32
      %dma_wait3A_21 = tpu.memref_slice %arg2[%dma_wait3A, %dma_wait3A_20] : memref<20480x128xf32, #tpu.memory_space<hbm>> -> memref<20480x128xf32, #tpu.memory_space<hbm>>
      tpu.wait_indirect_dma semaphore(%arg10 : memref<!tpu.dma_semaphore, #tpu.memory_space<semaphore_mem>>) src(%dma_wait3A_21 : memref<20480x128xf32, #tpu.memory_space<hbm>>) dst(%arg8 : memref<128x128xf32, #tpu.memory_space<vmem>>)
      "tpu.region"() ({
        %run_scoped3A = tpu.sem_alloc : memref<!tpu.dma_semaphore, #tpu.memory_space<semaphore_mem>>
        %dma_start3A_22 = arith.constant 0 : i32
        %dma_start3A_23 = arith.constant 0 : i32
        %dma_start3A_24 = tpu.memref_slice %arg9[%dma_start3A_22, %dma_start3A_23] : memref<10240x128xf32, #tpu.memory_space<vmem_shared>> -> memref<10240x128xf32, #tpu.memory_space<vmem_shared>>
        tpu.enqueue_indirect_dma source(%arg8 : memref<128x128xf32, #tpu.memory_space<vmem>>) target(%dma_start3A_24 : memref<10240x128xf32, #tpu.memory_space<vmem_shared>>) offsets(%arg7 : memref<128xi32, #tpu.memory_space<vmem>>) semaphore(%run_scoped3A : memref<!tpu.dma_semaphore, #tpu.memory_space<semaphore_mem>>) {add = true}
        %dma_wait3A_25 = arith.constant 0 : i32
        %dma_wait3A_26 = arith.constant 0 : i32
        %dma_wait3A_27 = tpu.memref_slice %arg9[%dma_wait3A_25, %dma_wait3A_26] : memref<10240x128xf32, #tpu.memory_space<vmem_shared>> -> memref<10240x128xf32, #tpu.memory_space<vmem_shared>>
        tpu.wait_indirect_dma semaphore(%run_scoped3A : memref<!tpu.dma_semaphore, #tpu.memory_space<semaphore_mem>>) src(%arg8 : memref<128x128xf32, #tpu.memory_space<vmem>>) dst(%dma_wait3A_27 : memref<10240x128xf32, #tpu.memory_space<vmem_shared>>)
        tpu.yield
      }) : () -> ()
    }
    %scan3A_9 = arith.constant 157 : i32
    %barrier3A_10 = arith.constant 0 : index
    tpu.barrier barrier_id(%barrier3A_10)
    %mul3A_11 = arith.constant 10240 : i32
    %mul3A_12 = arith.muli %arg0, %mul3A_11 : i32
    %add3A_13 = arith.addi %mul3A_12, %mul3A_0 : i32
    "tpu.region"() ({
      %run_scoped3A = tpu.sem_alloc : memref<!tpu.dma_semaphore, #tpu.memory_space<semaphore_mem>>
      %dma_start3A = arith.constant 0 : i32
      %dma_start3A_14 = tpu.memref_slice %arg5[%add3A_13, %dma_start3A] : memref<20480x128xf32, #tpu.memory_space<hbm>> -> memref<640x128xf32, #tpu.memory_space<hbm>>
      %dma_start3A_15 = arith.constant 0 : i32
      %dma_start3A_16 = tpu.memref_slice %arg9[%mul3A_0, %dma_start3A_15] : memref<10240x128xf32, #tpu.memory_space<vmem_shared>> -> memref<640x128xf32, #tpu.memory_space<vmem_shared>>
      tpu.enqueue_dma source(%dma_start3A_16 : memref<640x128xf32, #tpu.memory_space<vmem_shared>>) target(%dma_start3A_14 : memref<640x128xf32, #tpu.memory_space<hbm>>) target_semaphore(%run_scoped3A : memref<!tpu.dma_semaphore, #tpu.memory_space<semaphore_mem>>)
      %dma_wait3A = arith.constant 0 : i32
      %dma_wait3A_17 = tpu.memref_slice %arg5[%add3A_13, %dma_wait3A] : memref<20480x128xf32, #tpu.memory_space<hbm>> -> memref<640x128xf32, #tpu.memory_space<hbm>>
      %dma_wait3A_18 = arith.constant 0 : i32
      %dma_wait3A_19 = tpu.memref_slice %arg9[%mul3A_0, %dma_wait3A_18] : memref<10240x128xf32, #tpu.memory_space<vmem_shared>> -> memref<640x128xf32, #tpu.memory_space<vmem_shared>>
      tpu.wait_dma2 semaphore(%run_scoped3A : memref<!tpu.dma_semaphore, #tpu.memory_space<semaphore_mem>>) src(%dma_wait3A_19 : memref<640x128xf32, #tpu.memory_space<vmem_shared>>) dst(%dma_wait3A_17 : memref<640x128xf32, #tpu.memory_space<hbm>>)
      tpu.yield
    }) : () -> ()
    return
  }
}

#map = affine_map<(d0, d1) -> (0, 0)>
#map1 = affine_map<(d0, d1) -> (0)>
module attributes {stable_mosaic.version = 14 : i64} {
  func.func @_scatter_body(%arg0: i32, %arg1: i32, %arg2: memref<20480x128xf32, #tpu.memory_space<hbm>>, %arg3: memref<2x321536xi32, #tpu.memory_space<hbm>>, %arg4: memref<321536xi32, #tpu.memory_space<hbm>>, %arg5: memref<20480x128xf32, #tpu.memory_space<hbm>>, %arg6: memref<128xi32, #tpu.memory_space<vmem>>, %arg7: memref<128xi32, #tpu.memory_space<vmem>>, %arg8: memref<128x128xf32, #tpu.memory_space<vmem>>, %arg9: memref<10240x128xf32, #tpu.memory_space<vmem_shared>>, %arg10: memref<!tpu.dma_semaphore, #tpu.memory_space<semaphore_mem>>) attributes {dimension_semantics = [#tpu.dimension_semantics<core_parallel>, #tpu.dimension_semantics<subcore_parallel>], iteration_bounds = array<i64: 2, 16>, scalar_prefetch = 0 : i64, scratch_operands = 5 : i64, tpu.core_type = #tpu.core_type<sc_vector_subcore>, window_params = [{transform_indices = #map}, {transform_indices = #map}, {transform_indices = #map1}, {transform_indices = #map}]} {
    %mul3A = arith.constant 640 : i32
    %mul3A_0 = arith.muli %arg1, %mul3A : i32
    %mul3A_1 = arith.constant 10240 : i32
    %mul3A_2 = arith.muli %arg0, %mul3A_1 : i32
    %add3A = arith.addi %mul3A_2, %mul3A_0 : i32
    "tpu.region"() ({
      %run_scoped3A = tpu.sem_alloc : memref<!tpu.dma_semaphore, #tpu.memory_space<semaphore_mem>>
      %dma_start3A = arith.constant 0 : i32
      %dma_start3A_14 = tpu.memref_slice %arg9[%mul3A_0, %dma_start3A] : memref<10240x128xf32, #tpu.memory_space<vmem_shared>> -> memref<640x128xf32, #tpu.memory_space<vmem_shared>>
      %dma_start3A_15 = arith.constant 0 : i32
      %dma_start3A_16 = tpu.memref_slice %arg2[%add3A, %dma_start3A_15] : memref<20480x128xf32, #tpu.memory_space<hbm>> -> memref<640x128xf32, #tpu.memory_space<hbm>>
      tpu.enqueue_dma source(%dma_start3A_16 : memref<640x128xf32, #tpu.memory_space<hbm>>) target(%dma_start3A_14 : memref<640x128xf32, #tpu.memory_space<vmem_shared>>) target_semaphore(%run_scoped3A : memref<!tpu.dma_semaphore, #tpu.memory_space<semaphore_mem>>)
      %dma_wait3A = arith.constant 0 : i32
      %dma_wait3A_17 = tpu.memref_slice %arg9[%mul3A_0, %dma_wait3A] : memref<10240x128xf32, #tpu.memory_space<vmem_shared>> -> memref<640x128xf32, #tpu.memory_space<vmem_shared>>
      %dma_wait3A_18 = arith.constant 0 : i32
      %dma_wait3A_19 = tpu.memref_slice %arg2[%add3A, %dma_wait3A_18] : memref<20480x128xf32, #tpu.memory_space<hbm>> -> memref<640x128xf32, #tpu.memory_space<hbm>>
      tpu.wait_dma2 semaphore(%run_scoped3A : memref<!tpu.dma_semaphore, #tpu.memory_space<semaphore_mem>>) src(%dma_wait3A_19 : memref<640x128xf32, #tpu.memory_space<hbm>>) dst(%dma_wait3A_17 : memref<640x128xf32, #tpu.memory_space<vmem_shared>>)
      tpu.yield
    }) : () -> ()
    %barrier3A = arith.constant 0 : index
    tpu.barrier barrier_id(%barrier3A)
    %mul3A_3 = arith.constant 20096 : i32
    %mul3A_4 = arith.muli %arg1, %mul3A_3 : i32
    %scan3A = arith.constant 0 : i32
    %scan3A_5 = arith.constant 0 : i32
    %scan3A_6 = arith.constant 157 : i32
    %scan3A_7 = arith.addi %scan3A_5, %scan3A_6 : i32
    %scan3A_8 = arith.constant 1 : i32
    scf.for %scan3A_14 = %scan3A_5 to %scan3A_7 step %scan3A_8  : i32 {
      %mul3A_15 = arith.constant 128 : i32
      %mul3A_16 = arith.muli %scan3A_14, %mul3A_15 : i32
      %add3A_17 = arith.addi %mul3A_4, %mul3A_16 : i32
      "tpu.region"() ({
        %run_scoped3A = tpu.sem_alloc : memref<!tpu.dma_semaphore, #tpu.memory_space<semaphore_mem>>
        %dma_start3A_22 = tpu.memref_slice %arg3[%arg0, %add3A_17] : memref<2x321536xi32, #tpu.memory_space<hbm>> -> memref<1x128xi32, #tpu.memory_space<hbm>>
        %dma_start3A_23 = tpu.memref_squeeze %dma_start3A_22 : memref<1x128xi32, #tpu.memory_space<hbm>> -> memref<128xi32, #tpu.memory_space<hbm>>
        %dma_start3A_24 = tpu.memref_slice %arg3[%arg0, %add3A_17] : memref<2x321536xi32, #tpu.memory_space<hbm>> -> memref<1x128xi32, #tpu.memory_space<hbm>>
        %dma_start3A_25 = tpu.memref_squeeze %dma_start3A_24 : memref<1x128xi32, #tpu.memory_space<hbm>> -> memref<128xi32, #tpu.memory_space<hbm>>
        tpu.enqueue_dma source(%dma_start3A_25 : memref<128xi32, #tpu.memory_space<hbm>>) target(%arg6 : memref<128xi32, #tpu.memory_space<vmem>>) target_semaphore(%run_scoped3A : memref<!tpu.dma_semaphore, #tpu.memory_space<semaphore_mem>>)
        %dma_wait3A_26 = tpu.memref_slice %arg3[%arg0, %add3A_17] : memref<2x321536xi32, #tpu.memory_space<hbm>> -> memref<1x128xi32, #tpu.memory_space<hbm>>
        %dma_wait3A_27 = tpu.memref_squeeze %dma_wait3A_26 : memref<1x128xi32, #tpu.memory_space<hbm>> -> memref<128xi32, #tpu.memory_space<hbm>>
        %dma_wait3A_28 = tpu.memref_slice %arg3[%arg0, %add3A_17] : memref<2x321536xi32, #tpu.memory_space<hbm>> -> memref<1x128xi32, #tpu.memory_space<hbm>>
        %dma_wait3A_29 = tpu.memref_squeeze %dma_wait3A_28 : memref<1x128xi32, #tpu.memory_space<hbm>> -> memref<128xi32, #tpu.memory_space<hbm>>
        tpu.wait_dma2 semaphore(%run_scoped3A : memref<!tpu.dma_semaphore, #tpu.memory_space<semaphore_mem>>) src(%dma_wait3A_29 : memref<128xi32, #tpu.memory_space<hbm>>) dst(%arg6 : memref<128xi32, #tpu.memory_space<vmem>>)
        tpu.yield
      }) : () -> ()
      "tpu.region"() ({
        %run_scoped3A = tpu.sem_alloc : memref<!tpu.dma_semaphore, #tpu.memory_space<semaphore_mem>>
        %dma_start3A_22 = tpu.memref_slice %arg4[%add3A_17] : memref<321536xi32, #tpu.memory_space<hbm>> -> memref<128xi32, #tpu.memory_space<hbm>>
        %dma_start3A_23 = tpu.memref_slice %arg4[%add3A_17] : memref<321536xi32, #tpu.memory_space<hbm>> -> memref<128xi32, #tpu.memory_space<hbm>>
        tpu.enqueue_dma source(%dma_start3A_23 : memref<128xi32, #tpu.memory_space<hbm>>) target(%arg7 : memref<128xi32, #tpu.memory_space<vmem>>) target_semaphore(%run_scoped3A : memref<!tpu.dma_semaphore, #tpu.memory_space<semaphore_mem>>)
        %dma_wait3A_24 = tpu.memref_slice %arg4[%add3A_17] : memref<321536xi32, #tpu.memory_space<hbm>> -> memref<128xi32, #tpu.memory_space<hbm>>
        %dma_wait3A_25 = tpu.memref_slice %arg4[%add3A_17] : memref<321536xi32, #tpu.memory_space<hbm>> -> memref<128xi32, #tpu.memory_space<hbm>>
        tpu.wait_dma2 semaphore(%run_scoped3A : memref<!tpu.dma_semaphore, #tpu.memory_space<semaphore_mem>>) src(%dma_wait3A_25 : memref<128xi32, #tpu.memory_space<hbm>>) dst(%arg7 : memref<128xi32, #tpu.memory_space<vmem>>)
        tpu.yield
      }) : () -> ()
      %dma_start3A = arith.constant 0 : i32
      %dma_start3A_18 = arith.constant 0 : i32
      %dma_start3A_19 = tpu.memref_slice %arg2[%dma_start3A, %dma_start3A_18] : memref<20480x128xf32, #tpu.memory_space<hbm>> -> memref<20480x128xf32, #tpu.memory_space<hbm>>
      tpu.enqueue_indirect_dma source(%dma_start3A_19 : memref<20480x128xf32, #tpu.memory_space<hbm>>) target(%arg8 : memref<128x128xf32, #tpu.memory_space<vmem>>) offsets(%arg6 : memref<128xi32, #tpu.memory_space<vmem>>) semaphore(%arg10 : memref<!tpu.dma_semaphore, #tpu.memory_space<semaphore_mem>>)
      %dma_wait3A = arith.constant 0 : i32
      %dma_wait3A_20 = arith.constant 0 : i32
      %dma_wait3A_21 = tpu.memref_slice %arg2[%dma_wait3A, %dma_wait3A_20] : memref<20480x128xf32, #tpu.memory_space<hbm>> -> memref<20480x128xf32, #tpu.memory_space<hbm>>
      tpu.wait_indirect_dma semaphore(%arg10 : memref<!tpu.dma_semaphore, #tpu.memory_space<semaphore_mem>>) src(%dma_wait3A_21 : memref<20480x128xf32, #tpu.memory_space<hbm>>) dst(%arg8 : memref<128x128xf32, #tpu.memory_space<vmem>>)
      "tpu.region"() ({
        %run_scoped3A = tpu.sem_alloc : memref<!tpu.dma_semaphore, #tpu.memory_space<semaphore_mem>>
        %dma_start3A_22 = arith.constant 0 : i32
        %dma_start3A_23 = arith.constant 0 : i32
        %dma_start3A_24 = tpu.memref_slice %arg9[%dma_start3A_22, %dma_start3A_23] : memref<10240x128xf32, #tpu.memory_space<vmem_shared>> -> memref<10240x128xf32, #tpu.memory_space<vmem_shared>>
        tpu.enqueue_indirect_dma source(%arg8 : memref<128x128xf32, #tpu.memory_space<vmem>>) target(%dma_start3A_24 : memref<10240x128xf32, #tpu.memory_space<vmem_shared>>) offsets(%arg7 : memref<128xi32, #tpu.memory_space<vmem>>) semaphore(%run_scoped3A : memref<!tpu.dma_semaphore, #tpu.memory_space<semaphore_mem>>) {add = true}
        %dma_wait3A_25 = arith.constant 0 : i32
        %dma_wait3A_26 = arith.constant 0 : i32
        %dma_wait3A_27 = tpu.memref_slice %arg9[%dma_wait3A_25, %dma_wait3A_26] : memref<10240x128xf32, #tpu.memory_space<vmem_shared>> -> memref<10240x128xf32, #tpu.memory_space<vmem_shared>>
        tpu.wait_indirect_dma semaphore(%run_scoped3A : memref<!tpu.dma_semaphore, #tpu.memory_space<semaphore_mem>>) src(%arg8 : memref<128x128xf32, #tpu.memory_space<vmem>>) dst(%dma_wait3A_27 : memref<10240x128xf32, #tpu.memory_space<vmem_shared>>)
        tpu.yield
      }) : () -> ()
    }
    %scan3A_9 = arith.constant 157 : i32
    %barrier3A_10 = arith.constant 0 : index
    tpu.barrier barrier_id(%barrier3A_10)
    %mul3A_11 = arith.constant 10240 : i32
    %mul3A_12 = arith.muli %arg0, %mul3A_11 : i32
    %add3A_13 = arith.addi %mul3A_12, %mul3A_0 : i32
    "tpu.region"() ({
      %run_scoped3A = tpu.sem_alloc : memref<!tpu.dma_semaphore, #tpu.memory_space<semaphore_mem>>
      %dma_start3A = arith.constant 0 : i32
      %dma_start3A_14 = tpu.memref_slice %arg5[%add3A_13, %dma_start3A] : memref<20480x128xf32, #tpu.memory_space<hbm>> -> memref<640x128xf32, #tpu.memory_space<hbm>>
      %dma_start3A_15 = arith.constant 0 : i32
      %dma_start3A_16 = tpu.memref_slice %arg9[%mul3A_0, %dma_start3A_15] : memref<10240x128xf32, #tpu.memory_space<vmem_shared>> -> memref<640x128xf32, #tpu.memory_space<vmem_shared>>
      tpu.enqueue_dma source(%dma_start3A_16 : memref<640x128xf32, #tpu.memory_space<vmem_shared>>) target(%dma_start3A_14 : memref<640x128xf32, #tpu.memory_space<hbm>>) target_semaphore(%run_scoped3A : memref<!tpu.dma_semaphore, #tpu.memory_space<semaphore_mem>>)
      %dma_wait3A = arith.constant 0 : i32
      %dma_wait3A_17 = tpu.memref_slice %arg5[%add3A_13, %dma_wait3A] : memref<20480x128xf32, #tpu.memory_space<hbm>> -> memref<640x128xf32, #tpu.memory_space<hbm>>
      %dma_wait3A_18 = arith.constant 0 : i32
      %dma_wait3A_19 = tpu.memref_slice %arg9[%mul3A_0, %dma_wait3A_18] : memref<10240x128xf32, #tpu.memory_space<vmem_shared>> -> memref<640x128xf32, #tpu.memory_space<vmem_shared>>
      tpu.wait_dma2 semaphore(%run_scoped3A : memref<!tpu.dma_semaphore, #tpu.memory_space<semaphore_mem>>) src(%dma_wait3A_19 : memref<640x128xf32, #tpu.memory_space<vmem_shared>>) dst(%dma_wait3A_17 : memref<640x128xf32, #tpu.memory_space<hbm>>)
      tpu.yield
    }) : () -> ()
    return
  }
}

module attributes {stable_mosaic.version = 14 : i64} {
  func.func @_assign_body(%arg0: i32, %arg1: i32, %arg2: memref<1x128x3xf32, #tpu.memory_space<vmem>>, %arg3: memref<1x128x4xf32, #tpu.memory_space<vmem>>, %arg4: memref<3x10240xf32, #tpu.memory_space<vmem>>, %arg5: memref<3x128xf32, #tpu.memory_space<vmem>>, %arg6: memref<4x128xf32, #tpu.memory_space<vmem>>, %arg7: memref<1x128xf32, #tpu.memory_space<vmem>>, %arg8: memref<128x128xf32, #tpu.memory_space<vmem>>, %arg9: memref<1x128xf32, #tpu.memory_space<vmem>>, %arg10: memref<128x128xf32, #tpu.memory_space<vmem>>, %arg11: memref<1x128xf32, #tpu.memory_space<vmem>>, %arg12: memref<1x10240x128xf32, #tpu.memory_space<vmem>>) attributes {dimension_semantics = [#tpu.dimension_semantics<arbitrary>, #tpu.dimension_semantics<arbitrary>], iteration_bounds = array<i64: 2, 8>, scalar_prefetch = 0 : i64, scratch_operands = 0 : i64, tpu.core_type = #tpu.core_type<tc>, window_params = [{transform_indices = @transform_0, window_bounds = array<i64: 1, 128, 3>}, {transform_indices = @transform_1, window_bounds = array<i64: 1, 128, 4>}, {pipeline_mode = #tpu.pipeline_mode<synchronous>, transform_indices = @transform_2, window_bounds = array<i64: 3, 10240>}, {pipeline_mode = #tpu.pipeline_mode<synchronous>, transform_indices = @transform_3, window_bounds = array<i64: 3, 128>}, {pipeline_mode = #tpu.pipeline_mode<synchronous>, transform_indices = @transform_4, window_bounds = array<i64: 4, 128>}, {pipeline_mode = #tpu.pipeline_mode<synchronous>, transform_indices = @transform_5, window_bounds = array<i64: 1, 128>}, {pipeline_mode = #tpu.pipeline_mode<synchronous>, transform_indices = @transform_6, window_bounds = array<i64: 128, 128>}, {pipeline_mode = #tpu.pipeline_mode<synchronous>, transform_indices = @transform_7, window_bounds = array<i64: 1, 128>}, {pipeline_mode = #tpu.pipeline_mode<synchronous>, transform_indices = @transform_8, window_bounds = array<i64: 128, 128>}, {pipeline_mode = #tpu.pipeline_mode<synchronous>, transform_indices = @transform_9, window_bounds = array<i64: 1, 128>}, {transform_indices = @transform_10, window_bounds = array<i64: 1, 10240, 128>}]} {
    %get3A = arith.constant 0 : index
    %get3A_0 = arith.constant 0 : index
    %get3A_1 = arith.constant 0 : index
    %get3A_2 = vector.load %arg2[%get3A, %get3A_0, %get3A_1] : memref<1x128x3xf32, #tpu.memory_space<vmem>>, vector<1x128x3xf32>
    %get3A_3 = vector.shape_cast %get3A_2 : vector<1x128x3xf32> to vector<128x3xf32>
    %get3A_4 = arith.constant 0 : index
    %get3A_5 = arith.constant 0 : index
    %get3A_6 = arith.constant 0 : index
    %get3A_7 = vector.load %arg3[%get3A_4, %get3A_5, %get3A_6] : memref<1x128x4xf32, #tpu.memory_space<vmem>>, vector<1x128x4xf32>
    %get3A_8 = vector.shape_cast %get3A_7 : vector<1x128x4xf32> to vector<128x4xf32>
    %get3A_9 = arith.constant 0 : index
    %get3A_10 = arith.constant 0 : index
    %get3A_11 = vector.load %arg5[%get3A_9, %get3A_10] : memref<3x128xf32, #tpu.memory_space<vmem>>, vector<3x128xf32>
    %dot_general3A = arith.constant dense<0.000000e+00> : vector<128x128xf32>
    %dot_general3A_12 = tpu.matmul %get3A_3, %get3A_11, %dot_general3A {dimension_numbers = #tpu.dot_dimension_numbers<[1], [0], [0], [1], [0, 0, 1, 1], [], []>, transpose_lhs_hint = false} : vector<128x3xf32>, vector<3x128xf32>, vector<128x128xf32> -> vector<128x128xf32>
    %get3A_13 = arith.constant 0 : index
    %get3A_14 = arith.constant 0 : index
    %get3A_15 = vector.load %arg6[%get3A_13, %get3A_14] : memref<4x128xf32, #tpu.memory_space<vmem>>, vector<4x128xf32>
    %dot_general3A_16 = arith.constant dense<0.000000e+00> : vector<128x128xf32>
    %dot_general3A_17 = tpu.matmul %get3A_8, %get3A_15, %dot_general3A_16 {dimension_numbers = #tpu.dot_dimension_numbers<[1], [0], [0], [1], [0, 0, 1, 1], [], []>, transpose_lhs_hint = false} : vector<128x4xf32>, vector<4x128xf32>, vector<128x128xf32> -> vector<128x128xf32>
    %add3A = arith.addf %dot_general3A_12, %dot_general3A_17 : vector<128x128xf32>
    %get3A_18 = arith.constant 0 : index
    %get3A_19 = arith.constant 0 : index
    %get3A_20 = vector.load %arg7[%get3A_18, %get3A_19] : memref<1x128xf32, #tpu.memory_space<vmem>>, vector<1x128xf32>
    %add3A_21 = vector.broadcast %get3A_20 : vector<1x128xf32> to vector<128x128xf32>
    %add3A_22 = arith.addf %add3A, %add3A_21 : vector<128x128xf32>
    %max3A = arith.constant 0.000000e+00 : f32
    %max3A_23 = vector.broadcast %max3A : f32 to vector<128x128xf32>
    %max3A_24 = arith.maximumf %add3A_22, %max3A_23 : vector<128x128xf32>
    %get3A_25 = arith.constant 0 : index
    %get3A_26 = arith.constant 0 : index
    %get3A_27 = vector.load %arg8[%get3A_25, %get3A_26] : memref<128x128xf32, #tpu.memory_space<vmem>>, vector<128x128xf32>
    %dot_general3A_28 = arith.constant dense<0.000000e+00> : vector<128x128xf32>
    %dot_general3A_29 = tpu.matmul %max3A_24, %get3A_27, %dot_general3A_28 {dimension_numbers = #tpu.dot_dimension_numbers<[1], [0], [0], [1], [0, 0, 1, 1], [], []>, transpose_lhs_hint = false} : vector<128x128xf32>, vector<128x128xf32>, vector<128x128xf32> -> vector<128x128xf32>
    %get3A_30 = arith.constant 0 : index
    %get3A_31 = arith.constant 0 : index
    %get3A_32 = vector.load %arg9[%get3A_30, %get3A_31] : memref<1x128xf32, #tpu.memory_space<vmem>>, vector<1x128xf32>
    %add3A_33 = vector.broadcast %get3A_32 : vector<1x128xf32> to vector<128x128xf32>
    %add3A_34 = arith.addf %dot_general3A_29, %add3A_33 : vector<128x128xf32>
    %max3A_35 = arith.constant 0.000000e+00 : f32
    %max3A_36 = vector.broadcast %max3A_35 : f32 to vector<128x128xf32>
    %max3A_37 = arith.maximumf %add3A_34, %max3A_36 : vector<128x128xf32>
    %get3A_38 = arith.constant 0 : index
    %get3A_39 = arith.constant 0 : index
    %get3A_40 = vector.load %arg10[%get3A_38, %get3A_39] : memref<128x128xf32, #tpu.memory_space<vmem>>, vector<128x128xf32>
    %dot_general3A_41 = arith.constant dense<0.000000e+00> : vector<128x128xf32>
    %dot_general3A_42 = tpu.matmul %max3A_37, %get3A_40, %dot_general3A_41 {dimension_numbers = #tpu.dot_dimension_numbers<[1], [0], [0], [1], [0, 0, 1, 1], [], []>, transpose_lhs_hint = false} : vector<128x128xf32>, vector<128x128xf32>, vector<128x128xf32> -> vector<128x128xf32>
    %get3A_43 = arith.constant 0 : index
    %get3A_44 = arith.constant 0 : index
    %get3A_45 = vector.load %arg11[%get3A_43, %get3A_44] : memref<1x128xf32, #tpu.memory_space<vmem>>, vector<1x128xf32>
    %add3A_46 = vector.broadcast %get3A_45 : vector<1x128xf32> to vector<128x128xf32>
    %add3A_47 = arith.addf %dot_general3A_42, %add3A_46 : vector<128x128xf32>
    %get3A_48 = arith.constant 0 : index
    %get3A_49 = arith.constant 0 : index
    %get3A_50 = vector.load %arg4[%get3A_48, %get3A_49] : memref<3x10240xf32, #tpu.memory_space<vmem>>, vector<3x10240xf32>
    %mul3A = arith.mulf %get3A_3, %get3A_3 : vector<128x3xf32>
    %reduce_sum3A = arith.constant dense<0.000000e+00> : vector<128xf32>
    %reduce_sum3A_51 = vector.multi_reduction <add>, %mul3A, %reduce_sum3A [1] : vector<128x3xf32> to vector<128xf32>
    %broadcast_in_dim3A = vector.shape_cast %reduce_sum3A_51 : vector<128xf32> to vector<128x1xf32>
    %mul3A_52 = arith.mulf %get3A_50, %get3A_50 : vector<3x10240xf32>
    %reduce_sum3A_53 = arith.constant dense<0.000000e+00> : vector<10240xf32>
    %reduce_sum3A_54 = vector.multi_reduction <add>, %mul3A_52, %reduce_sum3A_53 [0] : vector<3x10240xf32> to vector<10240xf32>
    %broadcast_in_dim3A_55 = vector.shape_cast %reduce_sum3A_54 : vector<10240xf32> to vector<1x10240xf32>
    %dot_general3A_56 = arith.constant dense<0.000000e+00> : vector<128x10240xf32>
    %dot_general3A_57 = tpu.matmul %get3A_3, %get3A_50, %dot_general3A_56 {dimension_numbers = #tpu.dot_dimension_numbers<[1], [0], [0], [1], [0, 0, 1, 1], [], []>, transpose_lhs_hint = false} : vector<128x3xf32>, vector<3x10240xf32>, vector<128x10240xf32> -> vector<128x10240xf32>
    %mul3A_58 = arith.constant 2.000000e+00 : f32
    %mul3A_59 = vector.broadcast %mul3A_58 : f32 to vector<128x10240xf32>
    %mul3A_60 = arith.mulf %mul3A_59, %dot_general3A_57 : vector<128x10240xf32>
    %sub3A = vector.broadcast %broadcast_in_dim3A : vector<128x1xf32> to vector<128x10240xf32>
    %sub3A_61 = arith.subf %mul3A_60, %sub3A : vector<128x10240xf32>
    %sub3A_62 = vector.broadcast %broadcast_in_dim3A_55 : vector<1x10240xf32> to vector<128x10240xf32>
    %sub3A_63 = arith.subf %sub3A_61, %sub3A_62 : vector<128x10240xf32>
    %iota3A = tpu.iota {dimensions = array<i32: 1>} : vector<128x10240xi32>
    %lt3A = arith.constant 10000 : i32
    %lt3A_64 = vector.broadcast %lt3A : i32 to vector<128x10240xi32>
    %lt3A_65 = arith.cmpi slt, %iota3A, %lt3A_64 : vector<128x10240xi32>
    %jit3A = arith.constant -1.000000e+30 : f32
    %broadcast_in_dim3A_66 = vector.broadcast %jit3A : f32 to vector<128x10240xf32>
    %select_n3A = arith.select %lt3A_65, %sub3A_63, %broadcast_in_dim3A_66 : vector<128x10240xi1>, vector<128x10240xf32>
    %reduce_max3A = arith.constant dense<0xFF800000> : vector<128xf32>
    %reduce_max3A_67 = vector.multi_reduction <maximumf>, %select_n3A, %reduce_max3A [1] : vector<128x10240xf32> to vector<128xf32>
    %broadcast_in_dim3A_68 = vector.shape_cast %reduce_max3A_67 : vector<128xf32> to vector<128x1xf32>
    %sub3A_69 = vector.broadcast %broadcast_in_dim3A_68 : vector<128x1xf32> to vector<128x10240xf32>
    %sub3A_70 = arith.subf %select_n3A, %sub3A_69 : vector<128x10240xf32>
    %exp3A = math.exp %sub3A_70 : vector<128x10240xf32>
    %reduce_sum3A_71 = arith.constant dense<0.000000e+00> : vector<128xf32>
    %reduce_sum3A_72 = vector.multi_reduction <add>, %exp3A, %reduce_sum3A_71 [1] : vector<128x10240xf32> to vector<128xf32>
    %broadcast_in_dim3A_73 = vector.shape_cast %reduce_sum3A_72 : vector<128xf32> to vector<128x1xf32>
    %div3A = vector.broadcast %broadcast_in_dim3A_73 : vector<128x1xf32> to vector<128x10240xf32>
    %div3A_74 = arith.divf %exp3A, %div3A : vector<128x10240xf32>
    %dot_general3A_75 = arith.constant dense<0.000000e+00> : vector<10240x128xf32>
    %dot_general3A_76 = tpu.matmul %div3A_74, %add3A_47, %dot_general3A_75 {dimension_numbers = #tpu.dot_dimension_numbers<[0], [0], [1], [1], [0, 1, 1, 1], [], []>, transpose_lhs_hint = false} : vector<128x10240xf32>, vector<128x128xf32>, vector<10240x128xf32> -> vector<10240x128xf32>
    %eq3A = arith.constant 0 : i32
    %eq3A_77 = arith.cmpi eq, %arg1, %eq3A : i32
    %convert_element_type3A = arith.extui %eq3A_77 : i1 to i32
    %cond3A = arith.constant 0 : i32
    %cond3A_78 = arith.cmpi ne, %convert_element_type3A, %cond3A : i32
    scf.if %cond3A_78 {
      %broadcast_in_dim3A_90 = arith.constant 0.000000e+00 : f32
      %broadcast_in_dim3A_91 = vector.broadcast %broadcast_in_dim3A_90 : f32 to vector<1x10240x128xf32>
      %swap3A_92 = arith.constant 0 : index
      %swap3A_93 = arith.constant 0 : index
      %swap3A_94 = arith.constant 0 : index
      %swap3A_95 = vector.load %arg12[%swap3A_92, %swap3A_93, %swap3A_94] : memref<1x10240x128xf32, #tpu.memory_space<vmem>>, vector<1x10240x128xf32>
      tpu.vector_store %arg12[%swap3A_92, %swap3A_93, %swap3A_94], %broadcast_in_dim3A_91 {strides = array<i32>} : memref<1x10240x128xf32, #tpu.memory_space<vmem>>, vector<1x10240x128xf32>,
    } else {
    }
    %get3A_79 = arith.constant 0 : index
    %get3A_80 = arith.constant 0 : index
    %get3A_81 = arith.constant 0 : index
    %get3A_82 = vector.load %arg12[%get3A_79, %get3A_80, %get3A_81] : memref<1x10240x128xf32, #tpu.memory_space<vmem>>, vector<1x10240x128xf32>
    %get3A_83 = vector.shape_cast %get3A_82 : vector<1x10240x128xf32> to vector<10240x128xf32>
    %add3A_84 = arith.addf %get3A_83, %dot_general3A_76 : vector<10240x128xf32>
    %swap3A = arith.constant 0 : index
    %swap3A_85 = arith.constant 0 : index
    %swap3A_86 = arith.constant 0 : index
    %swap3A_87 = vector.load %arg12[%swap3A, %swap3A_85, %swap3A_86] : memref<1x10240x128xf32, #tpu.memory_space<vmem>>, vector<1x10240x128xf32>
    %swap3A_88 = vector.shape_cast %swap3A_87 : vector<1x10240x128xf32> to vector<10240x128xf32>
    %swap3A_89 = vector.shape_cast %add3A_84 : vector<10240x128xf32> to vector<1x10240x128xf32>
    tpu.vector_store %arg12[%swap3A, %swap3A_85, %swap3A_86], %swap3A_89 {strides = array<i32>} : memref<1x10240x128xf32, #tpu.memory_space<vmem>>, vector<1x10240x128xf32>,
    return
  }
  func.func @transform_0(%arg0: i32, %arg1: i32) -> (i32, i32, i32) {
    %c0_i32 = arith.constant 0 : i32
    %c0_i32_0 = arith.constant 0 : i32
    return %arg0, %arg1, %c0_i32 : i32, i32, i32
  }
  func.func @transform_1(%arg0: i32, %arg1: i32) -> (i32, i32, i32) {
    %c0_i32 = arith.constant 0 : i32
    %c0_i32_0 = arith.constant 0 : i32
    return %arg0, %arg1, %c0_i32 : i32, i32, i32
  }
  func.func @transform_2(%arg0: i32, %arg1: i32) -> (i32, i32) {
    %c0_i32 = arith.constant 0 : i32
    %c0_i32_0 = arith.constant 0 : i32
    %c0_i32_1 = arith.constant 0 : i32
    return %c0_i32, %c0_i32_0 : i32, i32
  }
  func.func @transform_3(%arg0: i32, %arg1: i32) -> (i32, i32) {
    %c0_i32 = arith.constant 0 : i32
    %c0_i32_0 = arith.constant 0 : i32
    %c0_i32_1 = arith.constant 0 : i32
    return %c0_i32, %c0_i32_0 : i32, i32
  }
  func.func @transform_4(%arg0: i32, %arg1: i32) -> (i32, i32) {
    %c0_i32 = arith.constant 0 : i32
    %c0_i32_0 = arith.constant 0 : i32
    %c0_i32_1 = arith.constant 0 : i32
    return %c0_i32, %c0_i32_0 : i32, i32
  }
  func.func @transform_5(%arg0: i32, %arg1: i32) -> (i32, i32) {
    %c0_i32 = arith.constant 0 : i32
    %c0_i32_0 = arith.constant 0 : i32
    %c0_i32_1 = arith.constant 0 : i32
    return %c0_i32, %c0_i32_0 : i32, i32
  }
  func.func @transform_6(%arg0: i32, %arg1: i32) -> (i32, i32) {
    %c0_i32 = arith.constant 0 : i32
    %c0_i32_0 = arith.constant 0 : i32
    %c0_i32_1 = arith.constant 0 : i32
    return %c0_i32, %c0_i32_0 : i32, i32
  }
  func.func @transform_7(%arg0: i32, %arg1: i32) -> (i32, i32) {
    %c0_i32 = arith.constant 0 : i32
    %c0_i32_0 = arith.constant 0 : i32
    %c0_i32_1 = arith.constant 0 : i32
    return %c0_i32, %c0_i32_0 : i32, i32
  }
  func.func @transform_8(%arg0: i32, %arg1: i32) -> (i32, i32) {
    %c0_i32 = arith.constant 0 : i32
    %c0_i32_0 = arith.constant 0 : i32
    %c0_i32_1 = arith.constant 0 : i32
    return %c0_i32, %c0_i32_0 : i32, i32
  }
  func.func @transform_9(%arg0: i32, %arg1: i32) -> (i32, i32) {
    %c0_i32 = arith.constant 0 : i32
    %c0_i32_0 = arith.constant 0 : i32
    %c0_i32_1 = arith.constant 0 : i32
    return %c0_i32, %c0_i32_0 : i32, i32
  }
  func.func @transform_10(%arg0: i32, %arg1: i32) -> (i32, i32, i32) {
    %c0_i32 = arith.constant 0 : i32
    %c0_i32_0 = arith.constant 0 : i32
    %c0_i32_1 = arith.constant 0 : i32
    return %arg0, %c0_i32, %c0_i32_0 : i32, i32, i32
  }
}

module attributes {stable_mosaic.version = 14 : i64} {
  func.func @body(%arg0: i32, %arg1: i32, %arg2: memref<1x1280x128xf32, #tpu.memory_space<vmem>>, %arg3: memref<1x1280x8xf32, #tpu.memory_space<vmem>>, %arg4: memref<1280x3xf32, #tpu.memory_space<vmem>>, %arg5: memref<128x128xf32, #tpu.memory_space<vmem>>, %arg6: memref<3x128xf32, #tpu.memory_space<vmem>>, %arg7: memref<1x128xf32, #tpu.memory_space<vmem>>, %arg8: memref<1x1280x128xf32, #tpu.memory_space<vmem>>) attributes {dimension_semantics = [#tpu.dimension_semantics<arbitrary>, #tpu.dimension_semantics<arbitrary>], iteration_bounds = array<i64: 2, 8>, scalar_prefetch = 0 : i64, scratch_operands = 0 : i64, tpu.core_type = #tpu.core_type<tc>, window_params = [{transform_indices = @transform_0, window_bounds = array<i64: 1, 1280, 128>}, {transform_indices = @transform_1, window_bounds = array<i64: 1, 1280, 8>}, {transform_indices = @transform_2, window_bounds = array<i64: 1280, 3>}, {pipeline_mode = #tpu.pipeline_mode<synchronous>, transform_indices = @transform_3, window_bounds = array<i64: 128, 128>}, {pipeline_mode = #tpu.pipeline_mode<synchronous>, transform_indices = @transform_4, window_bounds = array<i64: 3, 128>}, {pipeline_mode = #tpu.pipeline_mode<synchronous>, transform_indices = @transform_5, window_bounds = array<i64: 1, 128>}, {transform_indices = @transform_6, window_bounds = array<i64: 1, 1280, 128>}]} {
    %get3A = arith.constant 0 : index
    %get3A_0 = arith.constant 0 : index
    %get3A_1 = arith.constant 0 : index
    %get3A_2 = vector.load %arg3[%get3A, %get3A_0, %get3A_1] : memref<1x1280x8xf32, #tpu.memory_space<vmem>>, vector<1x1280x1xf32>
    %get3A_3 = vector.shape_cast %get3A_2 : vector<1x1280x1xf32> to vector<1280x1xf32>
    %rsqrt3A = math.rsqrt %get3A_3 : vector<1280x1xf32>
    %get3A_4 = arith.constant 0 : index
    %get3A_5 = arith.constant 0 : index
    %get3A_6 = arith.constant 0 : index
    %get3A_7 = vector.load %arg2[%get3A_4, %get3A_5, %get3A_6] : memref<1x1280x128xf32, #tpu.memory_space<vmem>>, vector<1x1280x128xf32>
    %get3A_8 = vector.shape_cast %get3A_7 : vector<1x1280x128xf32> to vector<1280x128xf32>
    %get3A_9 = arith.constant 0 : index
    %get3A_10 = arith.constant 0 : index
    %get3A_11 = vector.load %arg5[%get3A_9, %get3A_10] : memref<128x128xf32, #tpu.memory_space<vmem>>, vector<128x128xf32>
    %dot_general3A = arith.constant dense<0.000000e+00> : vector<1280x128xf32>
    %dot_general3A_12 = tpu.matmul %get3A_8, %get3A_11, %dot_general3A {dimension_numbers = #tpu.dot_dimension_numbers<[1], [0], [0], [1], [0, 0, 1, 1], [], []>, transpose_lhs_hint = false} : vector<1280x128xf32>, vector<128x128xf32>, vector<1280x128xf32> -> vector<1280x128xf32>
    %get3A_13 = arith.constant 0 : index
    %get3A_14 = arith.constant 0 : index
    %get3A_15 = vector.load %arg4[%get3A_13, %get3A_14] : memref<1280x3xf32, #tpu.memory_space<vmem>>, vector<1280x3xf32>
    %get3A_16 = arith.constant 0 : index
    %get3A_17 = arith.constant 0 : index
    %get3A_18 = vector.load %arg6[%get3A_16, %get3A_17] : memref<3x128xf32, #tpu.memory_space<vmem>>, vector<3x128xf32>
    %dot_general3A_19 = arith.constant dense<0.000000e+00> : vector<1280x128xf32>
    %dot_general3A_20 = tpu.matmul %get3A_15, %get3A_18, %dot_general3A_19 {dimension_numbers = #tpu.dot_dimension_numbers<[1], [0], [0], [1], [0, 0, 1, 1], [], []>, transpose_lhs_hint = false} : vector<1280x3xf32>, vector<3x128xf32>, vector<1280x128xf32> -> vector<1280x128xf32>
    %add3A = arith.addf %dot_general3A_12, %dot_general3A_20 : vector<1280x128xf32>
    %mul3A = vector.broadcast %rsqrt3A : vector<1280x1xf32> to vector<1280x128xf32>
    %mul3A_21 = arith.mulf %mul3A, %add3A : vector<1280x128xf32>
    %swap3A = arith.constant 0 : index
    %swap3A_22 = arith.constant 0 : index
    %swap3A_23 = arith.constant 0 : index
    %swap3A_24 = vector.load %arg8[%swap3A, %swap3A_22, %swap3A_23] : memref<1x1280x128xf32, #tpu.memory_space<vmem>>, vector<1x1280x128xf32>
    %swap3A_25 = vector.shape_cast %swap3A_24 : vector<1x1280x128xf32> to vector<1280x128xf32>
    %swap3A_26 = vector.shape_cast %mul3A_21 : vector<1280x128xf32> to vector<1x1280x128xf32>
    tpu.vector_store %arg8[%swap3A, %swap3A_22, %swap3A_23], %swap3A_26 {strides = array<i32>} : memref<1x1280x128xf32, #tpu.memory_space<vmem>>, vector<1x1280x128xf32>,
    return
  }
  func.func @transform_0(%arg0: i32, %arg1: i32) -> (i32, i32, i32) {
    %c0_i32 = arith.constant 0 : i32
    %c0_i32_0 = arith.constant 0 : i32
    return %arg0, %arg1, %c0_i32 : i32, i32, i32
  }
  func.func @transform_1(%arg0: i32, %arg1: i32) -> (i32, i32, i32) {
    %c0_i32 = arith.constant 0 : i32
    %c0_i32_0 = arith.constant 0 : i32
    %c0_i32_1 = arith.constant 0 : i32
    return %c0_i32, %arg1, %c0_i32_0 : i32, i32, i32
  }
  func.func @transform_2(%arg0: i32, %arg1: i32) -> (i32, i32) {
    %c0_i32 = arith.constant 0 : i32
    %c0_i32_0 = arith.constant 0 : i32
    return %arg1, %c0_i32 : i32, i32
  }
  func.func @transform_3(%arg0: i32, %arg1: i32) -> (i32, i32) {
    %c0_i32 = arith.constant 0 : i32
    %c0_i32_0 = arith.constant 0 : i32
    %c0_i32_1 = arith.constant 0 : i32
    return %c0_i32, %c0_i32_0 : i32, i32
  }
  func.func @transform_4(%arg0: i32, %arg1: i32) -> (i32, i32) {
    %c0_i32 = arith.constant 0 : i32
    %c0_i32_0 = arith.constant 0 : i32
    %c0_i32_1 = arith.constant 0 : i32
    return %c0_i32, %c0_i32_0 : i32, i32
  }
  func.func @transform_5(%arg0: i32, %arg1: i32) -> (i32, i32) {
    %c0_i32 = arith.constant 0 : i32
    %c0_i32_0 = arith.constant 0 : i32
    %c0_i32_1 = arith.constant 0 : i32
    return %c0_i32, %c0_i32_0 : i32, i32
  }
  func.func @transform_6(%arg0: i32, %arg1: i32) -> (i32, i32, i32) {
    %c0_i32 = arith.constant 0 : i32
    %c0_i32_0 = arith.constant 0 : i32
    return %arg0, %arg1, %c0_i32 : i32, i32, i32
  }
}

module attributes {stable_mosaic.version = 14 : i64} {
  func.func @body(%arg0: i32, %arg1: i32, %arg2: memref<1x1280x128xf32, #tpu.memory_space<vmem>>, %arg3: memref<1x1280x8xf32, #tpu.memory_space<vmem>>, %arg4: memref<1280x3xf32, #tpu.memory_space<vmem>>, %arg5: memref<128x128xf32, #tpu.memory_space<vmem>>, %arg6: memref<3x128xf32, #tpu.memory_space<vmem>>, %arg7: memref<1x128xf32, #tpu.memory_space<vmem>>, %arg8: memref<1x1280x128xf32, #tpu.memory_space<vmem>>) attributes {dimension_semantics = [#tpu.dimension_semantics<arbitrary>, #tpu.dimension_semantics<arbitrary>], iteration_bounds = array<i64: 2, 8>, scalar_prefetch = 0 : i64, scratch_operands = 0 : i64, tpu.core_type = #tpu.core_type<tc>, window_params = [{transform_indices = @transform_0, window_bounds = array<i64: 1, 1280, 128>}, {transform_indices = @transform_1, window_bounds = array<i64: 1, 1280, 8>}, {transform_indices = @transform_2, window_bounds = array<i64: 1280, 3>}, {pipeline_mode = #tpu.pipeline_mode<synchronous>, transform_indices = @transform_3, window_bounds = array<i64: 128, 128>}, {pipeline_mode = #tpu.pipeline_mode<synchronous>, transform_indices = @transform_4, window_bounds = array<i64: 3, 128>}, {pipeline_mode = #tpu.pipeline_mode<synchronous>, transform_indices = @transform_5, window_bounds = array<i64: 1, 128>}, {transform_indices = @transform_6, window_bounds = array<i64: 1, 1280, 128>}]} {
    %get3A = arith.constant 0 : index
    %get3A_0 = arith.constant 0 : index
    %get3A_1 = arith.constant 0 : index
    %get3A_2 = vector.load %arg3[%get3A, %get3A_0, %get3A_1] : memref<1x1280x8xf32, #tpu.memory_space<vmem>>, vector<1x1280x1xf32>
    %get3A_3 = vector.shape_cast %get3A_2 : vector<1x1280x1xf32> to vector<1280x1xf32>
    %rsqrt3A = math.rsqrt %get3A_3 : vector<1280x1xf32>
    %get3A_4 = arith.constant 0 : index
    %get3A_5 = arith.constant 0 : index
    %get3A_6 = arith.constant 0 : index
    %get3A_7 = vector.load %arg2[%get3A_4, %get3A_5, %get3A_6] : memref<1x1280x128xf32, #tpu.memory_space<vmem>>, vector<1x1280x128xf32>
    %get3A_8 = vector.shape_cast %get3A_7 : vector<1x1280x128xf32> to vector<1280x128xf32>
    %mul3A = vector.broadcast %rsqrt3A : vector<1280x1xf32> to vector<1280x128xf32>
    %mul3A_9 = arith.mulf %mul3A, %get3A_8 : vector<1280x128xf32>
    %get3A_10 = arith.constant 0 : index
    %get3A_11 = arith.constant 0 : index
    %get3A_12 = vector.load %arg7[%get3A_10, %get3A_11] : memref<1x128xf32, #tpu.memory_space<vmem>>, vector<1x128xf32>
    %add3A = vector.broadcast %get3A_12 : vector<1x128xf32> to vector<1280x128xf32>
    %add3A_13 = arith.addf %mul3A_9, %add3A : vector<1280x128xf32>
    %get3A_14 = arith.constant 0 : index
    %get3A_15 = arith.constant 0 : index
    %get3A_16 = vector.load %arg5[%get3A_14, %get3A_15] : memref<128x128xf32, #tpu.memory_space<vmem>>, vector<128x128xf32>
    %dot_general3A = arith.constant dense<0.000000e+00> : vector<1280x128xf32>
    %dot_general3A_17 = tpu.matmul %add3A_13, %get3A_16, %dot_general3A {dimension_numbers = #tpu.dot_dimension_numbers<[1], [0], [0], [1], [0, 0, 1, 1], [], []>, transpose_lhs_hint = false} : vector<1280x128xf32>, vector<128x128xf32>, vector<1280x128xf32> -> vector<1280x128xf32>
    %get3A_18 = arith.constant 0 : index
    %get3A_19 = arith.constant 0 : index
    %get3A_20 = vector.load %arg4[%get3A_18, %get3A_19] : memref<1280x3xf32, #tpu.memory_space<vmem>>, vector<1280x3xf32>
    %get3A_21 = arith.constant 0 : index
    %get3A_22 = arith.constant 0 : index
    %get3A_23 = vector.load %arg6[%get3A_21, %get3A_22] : memref<3x128xf32, #tpu.memory_space<vmem>>, vector<3x128xf32>
    %dot_general3A_24 = arith.constant dense<0.000000e+00> : vector<1280x128xf32>
    %dot_general3A_25 = tpu.matmul %get3A_20, %get3A_23, %dot_general3A_24 {dimension_numbers = #tpu.dot_dimension_numbers<[1], [0], [0], [1], [0, 0, 1, 1], [], []>, transpose_lhs_hint = false} : vector<1280x3xf32>, vector<3x128xf32>, vector<1280x128xf32> -> vector<1280x128xf32>
    %add3A_26 = arith.addf %dot_general3A_17, %dot_general3A_25 : vector<1280x128xf32>
    %mul3A_27 = vector.broadcast %rsqrt3A : vector<1280x1xf32> to vector<1280x128xf32>
    %mul3A_28 = arith.mulf %mul3A_27, %add3A_26 : vector<1280x128xf32>
    %swap3A = arith.constant 0 : index
    %swap3A_29 = arith.constant 0 : index
    %swap3A_30 = arith.constant 0 : index
    %swap3A_31 = vector.load %arg8[%swap3A, %swap3A_29, %swap3A_30] : memref<1x1280x128xf32, #tpu.memory_space<vmem>>, vector<1x1280x128xf32>
    %swap3A_32 = vector.shape_cast %swap3A_31 : vector<1x1280x128xf32> to vector<1280x128xf32>
    %swap3A_33 = vector.shape_cast %mul3A_28 : vector<1280x128xf32> to vector<1x1280x128xf32>
    tpu.vector_store %arg8[%swap3A, %swap3A_29, %swap3A_30], %swap3A_33 {strides = array<i32>} : memref<1x1280x128xf32, #tpu.memory_space<vmem>>, vector<1x1280x128xf32>,
    return
  }
  func.func @transform_0(%arg0: i32, %arg1: i32) -> (i32, i32, i32) {
    %c0_i32 = arith.constant 0 : i32
    %c0_i32_0 = arith.constant 0 : i32
    return %arg0, %arg1, %c0_i32 : i32, i32, i32
  }
  func.func @transform_1(%arg0: i32, %arg1: i32) -> (i32, i32, i32) {
    %c0_i32 = arith.constant 0 : i32
    %c0_i32_0 = arith.constant 0 : i32
    %c0_i32_1 = arith.constant 0 : i32
    return %c0_i32, %arg1, %c0_i32_0 : i32, i32, i32
  }
  func.func @transform_2(%arg0: i32, %arg1: i32) -> (i32, i32) {
    %c0_i32 = arith.constant 0 : i32
    %c0_i32_0 = arith.constant 0 : i32
    return %arg1, %c0_i32 : i32, i32
  }
  func.func @transform_3(%arg0: i32, %arg1: i32) -> (i32, i32) {
    %c0_i32 = arith.constant 0 : i32
    %c0_i32_0 = arith.constant 0 : i32
    %c0_i32_1 = arith.constant 0 : i32
    return %c0_i32, %c0_i32_0 : i32, i32
  }
  func.func @transform_4(%arg0: i32, %arg1: i32) -> (i32, i32) {
    %c0_i32 = arith.constant 0 : i32
    %c0_i32_0 = arith.constant 0 : i32
    %c0_i32_1 = arith.constant 0 : i32
    return %c0_i32, %c0_i32_0 : i32, i32
  }
  func.func @transform_5(%arg0: i32, %arg1: i32) -> (i32, i32) {
    %c0_i32 = arith.constant 0 : i32
    %c0_i32_0 = arith.constant 0 : i32
    %c0_i32_1 = arith.constant 0 : i32
    return %c0_i32, %c0_i32_0 : i32, i32
  }
  func.func @transform_6(%arg0: i32, %arg1: i32) -> (i32, i32, i32) {
    %c0_i32 = arith.constant 0 : i32
    %c0_i32_0 = arith.constant 0 : i32
    return %arg0, %arg1, %c0_i32 : i32, i32, i32
  }
}

module attributes {stable_mosaic.version = 14 : i64} {
  func.func @_decode_body(%arg0: i32, %arg1: i32, %arg2: memref<1x128x3xf32, #tpu.memory_space<vmem>>, %arg3: memref<1x10240x128xf32, #tpu.memory_space<vmem>>, %arg4: memref<1x10240x8xf32, #tpu.memory_space<vmem>>, %arg5: memref<3x10240xf32, #tpu.memory_space<vmem>>, %arg6: memref<1x128xf32, #tpu.memory_space<vmem>>, %arg7: memref<128x128xf32, #tpu.memory_space<vmem>>, %arg8: memref<3x128xf32, #tpu.memory_space<vmem>>, %arg9: memref<1x128xf32, #tpu.memory_space<vmem>>, %arg10: memref<128x128xf32, #tpu.memory_space<vmem>>, %arg11: memref<1x128xf32, #tpu.memory_space<vmem>>, %arg12: memref<128x128xf32, #tpu.memory_space<vmem>>, %arg13: memref<1x128xf32, #tpu.memory_space<vmem>>, %arg14: memref<1x128x128xf32, #tpu.memory_space<vmem>>) attributes {dimension_semantics = [#tpu.dimension_semantics<arbitrary>, #tpu.dimension_semantics<arbitrary>], iteration_bounds = array<i64: 2, 8>, scalar_prefetch = 0 : i64, scratch_operands = 0 : i64, tpu.core_type = #tpu.core_type<tc>, window_params = [{transform_indices = @transform_0, window_bounds = array<i64: 1, 128, 3>}, {transform_indices = @transform_1, window_bounds = array<i64: 1, 10240, 128>}, {pipeline_mode = #tpu.pipeline_mode<synchronous>, transform_indices = @transform_2, window_bounds = array<i64: 1, 10240, 8>}, {pipeline_mode = #tpu.pipeline_mode<synchronous>, transform_indices = @transform_3, window_bounds = array<i64: 3, 10240>}, {pipeline_mode = #tpu.pipeline_mode<synchronous>, transform_indices = @transform_4, window_bounds = array<i64: 1, 128>}, {pipeline_mode = #tpu.pipeline_mode<synchronous>, transform_indices = @transform_5, window_bounds = array<i64: 128, 128>}, {pipeline_mode = #tpu.pipeline_mode<synchronous>, transform_indices = @transform_6, window_bounds = array<i64: 3, 128>}, {pipeline_mode = #tpu.pipeline_mode<synchronous>, transform_indices = @transform_7, window_bounds = array<i64: 1, 128>}, {pipeline_mode = #tpu.pipeline_mode<synchronous>, transform_indices = @transform_8, window_bounds = array<i64: 128, 128>}, {pipeline_mode = #tpu.pipeline_mode<synchronous>, transform_indices = @transform_9, window_bounds = array<i64: 1, 128>}, {pipeline_mode = #tpu.pipeline_mode<synchronous>, transform_indices = @transform_10, window_bounds = array<i64: 128, 128>}, {pipeline_mode = #tpu.pipeline_mode<synchronous>, transform_indices = @transform_11, window_bounds = array<i64: 1, 128>}, {transform_indices = @transform_12, window_bounds = array<i64: 1, 128, 128>}]} {
    %get3A = arith.constant 0 : index
    %get3A_0 = arith.constant 0 : index
    %get3A_1 = arith.constant 0 : index
    %get3A_2 = vector.load %arg2[%get3A, %get3A_0, %get3A_1] : memref<1x128x3xf32, #tpu.memory_space<vmem>>, vector<1x128x3xf32>
    %get3A_3 = vector.shape_cast %get3A_2 : vector<1x128x3xf32> to vector<128x3xf32>
    %get3A_4 = arith.constant 0 : index
    %get3A_5 = arith.constant 0 : index
    %get3A_6 = arith.constant 0 : index
    %get3A_7 = vector.load %arg4[%get3A_4, %get3A_5, %get3A_6] : memref<1x10240x8xf32, #tpu.memory_space<vmem>>, vector<1x10240x1xf32>
    %get3A_8 = vector.shape_cast %get3A_7 : vector<1x10240x1xf32> to vector<10240x1xf32>
    %rsqrt3A = math.rsqrt %get3A_8 : vector<10240x1xf32>
    %get3A_9 = arith.constant 0 : index
    %get3A_10 = arith.constant 0 : index
    %get3A_11 = arith.constant 0 : index
    %get3A_12 = vector.load %arg3[%get3A_9, %get3A_10, %get3A_11] : memref<1x10240x128xf32, #tpu.memory_space<vmem>>, vector<1x10240x128xf32>
    %get3A_13 = vector.shape_cast %get3A_12 : vector<1x10240x128xf32> to vector<10240x128xf32>
    %mul3A = vector.broadcast %rsqrt3A : vector<10240x1xf32> to vector<10240x128xf32>
    %mul3A_14 = arith.mulf %mul3A, %get3A_13 : vector<10240x128xf32>
    %get3A_15 = arith.constant 0 : index
    %get3A_16 = arith.constant 0 : index
    %get3A_17 = vector.load %arg6[%get3A_15, %get3A_16] : memref<1x128xf32, #tpu.memory_space<vmem>>, vector<1x128xf32>
    %add3A = vector.broadcast %get3A_17 : vector<1x128xf32> to vector<10240x128xf32>
    %add3A_18 = arith.addf %mul3A_14, %add3A : vector<10240x128xf32>
    %get3A_19 = arith.constant 0 : index
    %get3A_20 = arith.constant 0 : index
    %get3A_21 = vector.load %arg5[%get3A_19, %get3A_20] : memref<3x10240xf32, #tpu.memory_space<vmem>>, vector<3x10240xf32>
    %mul3A_22 = arith.mulf %get3A_3, %get3A_3 : vector<128x3xf32>
    %reduce_sum3A = arith.constant dense<0.000000e+00> : vector<128xf32>
    %reduce_sum3A_23 = vector.multi_reduction <add>, %mul3A_22, %reduce_sum3A [1] : vector<128x3xf32> to vector<128xf32>
    %broadcast_in_dim3A = vector.shape_cast %reduce_sum3A_23 : vector<128xf32> to vector<128x1xf32>
    %mul3A_24 = arith.mulf %get3A_21, %get3A_21 : vector<3x10240xf32>
    %reduce_sum3A_25 = arith.constant dense<0.000000e+00> : vector<10240xf32>
    %reduce_sum3A_26 = vector.multi_reduction <add>, %mul3A_24, %reduce_sum3A_25 [0] : vector<3x10240xf32> to vector<10240xf32>
    %broadcast_in_dim3A_27 = vector.shape_cast %reduce_sum3A_26 : vector<10240xf32> to vector<1x10240xf32>
    %dot_general3A = arith.constant dense<0.000000e+00> : vector<128x10240xf32>
    %dot_general3A_28 = tpu.matmul %get3A_3, %get3A_21, %dot_general3A {dimension_numbers = #tpu.dot_dimension_numbers<[1], [0], [0], [1], [0, 0, 1, 1], [], []>, transpose_lhs_hint = false} : vector<128x3xf32>, vector<3x10240xf32>, vector<128x10240xf32> -> vector<128x10240xf32>
    %mul3A_29 = arith.constant 2.000000e+00 : f32
    %mul3A_30 = vector.broadcast %mul3A_29 : f32 to vector<128x10240xf32>
    %mul3A_31 = arith.mulf %mul3A_30, %dot_general3A_28 : vector<128x10240xf32>
    %sub3A = vector.broadcast %broadcast_in_dim3A : vector<128x1xf32> to vector<128x10240xf32>
    %sub3A_32 = arith.subf %mul3A_31, %sub3A : vector<128x10240xf32>
    %sub3A_33 = vector.broadcast %broadcast_in_dim3A_27 : vector<1x10240xf32> to vector<128x10240xf32>
    %sub3A_34 = arith.subf %sub3A_32, %sub3A_33 : vector<128x10240xf32>
    %iota3A = tpu.iota {dimensions = array<i32: 1>} : vector<128x10240xi32>
    %lt3A = arith.constant 10000 : i32
    %lt3A_35 = vector.broadcast %lt3A : i32 to vector<128x10240xi32>
    %lt3A_36 = arith.cmpi slt, %iota3A, %lt3A_35 : vector<128x10240xi32>
    %jit3A = arith.constant -1.000000e+30 : f32
    %broadcast_in_dim3A_37 = vector.broadcast %jit3A : f32 to vector<128x10240xf32>
    %select_n3A = arith.select %lt3A_36, %sub3A_34, %broadcast_in_dim3A_37 : vector<128x10240xi1>, vector<128x10240xf32>
    %reduce_max3A = arith.constant dense<0xFF800000> : vector<128xf32>
    %reduce_max3A_38 = vector.multi_reduction <maximumf>, %select_n3A, %reduce_max3A [1] : vector<128x10240xf32> to vector<128xf32>
    %broadcast_in_dim3A_39 = vector.shape_cast %reduce_max3A_38 : vector<128xf32> to vector<128x1xf32>
    %sub3A_40 = vector.broadcast %broadcast_in_dim3A_39 : vector<128x1xf32> to vector<128x10240xf32>
    %sub3A_41 = arith.subf %select_n3A, %sub3A_40 : vector<128x10240xf32>
    %exp3A = math.exp %sub3A_41 : vector<128x10240xf32>
    %reduce_sum3A_42 = arith.constant dense<0.000000e+00> : vector<128xf32>
    %reduce_sum3A_43 = vector.multi_reduction <add>, %exp3A, %reduce_sum3A_42 [1] : vector<128x10240xf32> to vector<128xf32>
    %broadcast_in_dim3A_44 = vector.shape_cast %reduce_sum3A_43 : vector<128xf32> to vector<128x1xf32>
    %div3A = vector.broadcast %broadcast_in_dim3A_44 : vector<128x1xf32> to vector<128x10240xf32>
    %div3A_45 = arith.divf %exp3A, %div3A : vector<128x10240xf32>
    %dot_general3A_46 = arith.constant dense<0.000000e+00> : vector<128x128xf32>
    %dot_general3A_47 = tpu.matmul %div3A_45, %add3A_18, %dot_general3A_46 {dimension_numbers = #tpu.dot_dimension_numbers<[1], [0], [0], [1], [0, 0, 1, 1], [], []>, transpose_lhs_hint = false} : vector<128x10240xf32>, vector<10240x128xf32>, vector<128x128xf32> -> vector<128x128xf32>
    %get3A_48 = arith.constant 0 : index
    %get3A_49 = arith.constant 0 : index
    %get3A_50 = vector.load %arg7[%get3A_48, %get3A_49] : memref<128x128xf32, #tpu.memory_space<vmem>>, vector<128x128xf32>
    %dot_general3A_51 = arith.constant dense<0.000000e+00> : vector<128x128xf32>
    %dot_general3A_52 = tpu.matmul %dot_general3A_47, %get3A_50, %dot_general3A_51 {dimension_numbers = #tpu.dot_dimension_numbers<[1], [0], [0], [1], [0, 0, 1, 1], [], []>, transpose_lhs_hint = false} : vector<128x128xf32>, vector<128x128xf32>, vector<128x128xf32> -> vector<128x128xf32>
    %get3A_53 = arith.constant 0 : index
    %get3A_54 = arith.constant 0 : index
    %get3A_55 = vector.load %arg8[%get3A_53, %get3A_54] : memref<3x128xf32, #tpu.memory_space<vmem>>, vector<3x128xf32>
    %dot_general3A_56 = arith.constant dense<0.000000e+00> : vector<128x128xf32>
    %dot_general3A_57 = tpu.matmul %get3A_3, %get3A_55, %dot_general3A_56 {dimension_numbers = #tpu.dot_dimension_numbers<[1], [0], [0], [1], [0, 0, 1, 1], [], []>, transpose_lhs_hint = false} : vector<128x3xf32>, vector<3x128xf32>, vector<128x128xf32> -> vector<128x128xf32>
    %add3A_58 = arith.addf %dot_general3A_52, %dot_general3A_57 : vector<128x128xf32>
    %get3A_59 = arith.constant 0 : index
    %get3A_60 = arith.constant 0 : index
    %get3A_61 = vector.load %arg9[%get3A_59, %get3A_60] : memref<1x128xf32, #tpu.memory_space<vmem>>, vector<1x128xf32>
    %add3A_62 = vector.broadcast %get3A_61 : vector<1x128xf32> to vector<128x128xf32>
    %add3A_63 = arith.addf %add3A_58, %add3A_62 : vector<128x128xf32>
    %max3A = arith.constant 0.000000e+00 : f32
    %max3A_64 = vector.broadcast %max3A : f32 to vector<128x128xf32>
    %max3A_65 = arith.maximumf %add3A_63, %max3A_64 : vector<128x128xf32>
    %get3A_66 = arith.constant 0 : index
    %get3A_67 = arith.constant 0 : index
    %get3A_68 = vector.load %arg10[%get3A_66, %get3A_67] : memref<128x128xf32, #tpu.memory_space<vmem>>, vector<128x128xf32>
    %dot_general3A_69 = arith.constant dense<0.000000e+00> : vector<128x128xf32>
    %dot_general3A_70 = tpu.matmul %max3A_65, %get3A_68, %dot_general3A_69 {dimension_numbers = #tpu.dot_dimension_numbers<[1], [0], [0], [1], [0, 0, 1, 1], [], []>, transpose_lhs_hint = false} : vector<128x128xf32>, vector<128x128xf32>, vector<128x128xf32> -> vector<128x128xf32>
    %get3A_71 = arith.constant 0 : index
    %get3A_72 = arith.constant 0 : index
    %get3A_73 = vector.load %arg11[%get3A_71, %get3A_72] : memref<1x128xf32, #tpu.memory_space<vmem>>, vector<1x128xf32>
    %add3A_74 = vector.broadcast %get3A_73 : vector<1x128xf32> to vector<128x128xf32>
    %add3A_75 = arith.addf %dot_general3A_70, %add3A_74 : vector<128x128xf32>
    %max3A_76 = arith.constant 0.000000e+00 : f32
    %max3A_77 = vector.broadcast %max3A_76 : f32 to vector<128x128xf32>
    %max3A_78 = arith.maximumf %add3A_75, %max3A_77 : vector<128x128xf32>
    %get3A_79 = arith.constant 0 : index
    %get3A_80 = arith.constant 0 : index
    %get3A_81 = vector.load %arg12[%get3A_79, %get3A_80] : memref<128x128xf32, #tpu.memory_space<vmem>>, vector<128x128xf32>
    %dot_general3A_82 = arith.constant dense<0.000000e+00> : vector<128x128xf32>
    %dot_general3A_83 = tpu.matmul %max3A_78, %get3A_81, %dot_general3A_82 {dimension_numbers = #tpu.dot_dimension_numbers<[1], [0], [0], [1], [0, 0, 1, 1], [], []>, transpose_lhs_hint = false} : vector<128x128xf32>, vector<128x128xf32>, vector<128x128xf32> -> vector<128x128xf32>
    %get3A_84 = arith.constant 0 : index
    %get3A_85 = arith.constant 0 : index
    %get3A_86 = vector.load %arg13[%get3A_84, %get3A_85] : memref<1x128xf32, #tpu.memory_space<vmem>>, vector<1x128xf32>
    %add3A_87 = vector.broadcast %get3A_86 : vector<1x128xf32> to vector<128x128xf32>
    %add3A_88 = arith.addf %dot_general3A_83, %add3A_87 : vector<128x128xf32>
    %swap3A = arith.constant 0 : index
    %swap3A_89 = arith.constant 0 : index
    %swap3A_90 = arith.constant 0 : index
    %swap3A_91 = vector.load %arg14[%swap3A, %swap3A_89, %swap3A_90] : memref<1x128x128xf32, #tpu.memory_space<vmem>>, vector<1x128x128xf32>
    %swap3A_92 = vector.shape_cast %swap3A_91 : vector<1x128x128xf32> to vector<128x128xf32>
    %swap3A_93 = vector.shape_cast %add3A_88 : vector<128x128xf32> to vector<1x128x128xf32>
    tpu.vector_store %arg14[%swap3A, %swap3A_89, %swap3A_90], %swap3A_93 {strides = array<i32>} : memref<1x128x128xf32, #tpu.memory_space<vmem>>, vector<1x128x128xf32>,
    return
  }
  func.func @transform_0(%arg0: i32, %arg1: i32) -> (i32, i32, i32) {
    %c0_i32 = arith.constant 0 : i32
    %c0_i32_0 = arith.constant 0 : i32
    return %arg0, %arg1, %c0_i32 : i32, i32, i32
  }
  func.func @transform_1(%arg0: i32, %arg1: i32) -> (i32, i32, i32) {
    %c0_i32 = arith.constant 0 : i32
    %c0_i32_0 = arith.constant 0 : i32
    %c0_i32_1 = arith.constant 0 : i32
    return %arg0, %c0_i32, %c0_i32_0 : i32, i32, i32
  }
  func.func @transform_2(%arg0: i32, %arg1: i32) -> (i32, i32, i32) {
    %c0_i32 = arith.constant 0 : i32
    %c0_i32_0 = arith.constant 0 : i32
    %c0_i32_1 = arith.constant 0 : i32
    %c0_i32_2 = arith.constant 0 : i32
    return %c0_i32, %c0_i32_0, %c0_i32_1 : i32, i32, i32
  }
  func.func @transform_3(%arg0: i32, %arg1: i32) -> (i32, i32) {
    %c0_i32 = arith.constant 0 : i32
    %c0_i32_0 = arith.constant 0 : i32
    %c0_i32_1 = arith.constant 0 : i32
    return %c0_i32, %c0_i32_0 : i32, i32
  }
  func.func @transform_4(%arg0: i32, %arg1: i32) -> (i32, i32) {
    %c0_i32 = arith.constant 0 : i32
    %c0_i32_0 = arith.constant 0 : i32
    %c0_i32_1 = arith.constant 0 : i32
    return %c0_i32, %c0_i32_0 : i32, i32
  }
  func.func @transform_5(%arg0: i32, %arg1: i32) -> (i32, i32) {
    %c0_i32 = arith.constant 0 : i32
    %c0_i32_0 = arith.constant 0 : i32
    %c0_i32_1 = arith.constant 0 : i32
    return %c0_i32, %c0_i32_0 : i32, i32
  }
  func.func @transform_6(%arg0: i32, %arg1: i32) -> (i32, i32) {
    %c0_i32 = arith.constant 0 : i32
    %c0_i32_0 = arith.constant 0 : i32
    %c0_i32_1 = arith.constant 0 : i32
    return %c0_i32, %c0_i32_0 : i32, i32
  }
  func.func @transform_7(%arg0: i32, %arg1: i32) -> (i32, i32) {
    %c0_i32 = arith.constant 0 : i32
    %c0_i32_0 = arith.constant 0 : i32
    %c0_i32_1 = arith.constant 0 : i32
    return %c0_i32, %c0_i32_0 : i32, i32
  }
  func.func @transform_8(%arg0: i32, %arg1: i32) -> (i32, i32) {
    %c0_i32 = arith.constant 0 : i32
    %c0_i32_0 = arith.constant 0 : i32
    %c0_i32_1 = arith.constant 0 : i32
    return %c0_i32, %c0_i32_0 : i32, i32
  }
  func.func @transform_9(%arg0: i32, %arg1: i32) -> (i32, i32) {
    %c0_i32 = arith.constant 0 : i32
    %c0_i32_0 = arith.constant 0 : i32
    %c0_i32_1 = arith.constant 0 : i32
    return %c0_i32, %c0_i32_0 : i32, i32
  }
  func.func @transform_10(%arg0: i32, %arg1: i32) -> (i32, i32) {
    %c0_i32 = arith.constant 0 : i32
    %c0_i32_0 = arith.constant 0 : i32
    %c0_i32_1 = arith.constant 0 : i32
    return %c0_i32, %c0_i32_0 : i32, i32
  }
  func.func @transform_11(%arg0: i32, %arg1: i32) -> (i32, i32) {
    %c0_i32 = arith.constant 0 : i32
    %c0_i32_0 = arith.constant 0 : i32
    %c0_i32_1 = arith.constant 0 : i32
    return %c0_i32, %c0_i32_0 : i32, i32
  }
  func.func @transform_12(%arg0: i32, %arg1: i32) -> (i32, i32, i32) {
    %c0_i32 = arith.constant 0 : i32
    %c0_i32_0 = arith.constant 0 : i32
    return %arg0, %arg1, %c0_i32 : i32, i32, i32
  }
}

</mosaic_0001>

<sc_bundles>
// kernel: kernel.11.cloned.1.call-start
scs
__scs_entry_jumppad:
0x0: {  	(pc) =	sbr.rel $0x88, $3  }
0x1: {  	(tag) =	ssettag $0x0;
	lr =	simm.s32 $0x1  }
0x2: {  	[smem:$0x3F8E] =	sst lr;
	_ =	strace $0xD0000000  }
0x3: {  	_ = 	snop  }
0x4: {  	_ = 	snop  }
0x5: {  	_ = 	snop  }
0x6: {  	_ = 	snop  }
0x7: {  	_ = 	snop  }
__scs_overlays_trampoline_lowered:
0x8: {  	[smem:$0x3F9D] =	sst s0  }
0x9: {  	[smem:$0x3F9E] =	sst s1  }
0xa: {  	[smem:$0x3F9F] =	sst s2  }
0xb: {  	[smem:$0x3FA0] =	sst s3  }
0xc: {  	[smem:$0x3FA1] =	sst s4  }
0xd: {  	[smem:$0x3FA2] =	sst s5  }
0xe: {  	[smem:$0x3FA3] =	sst s6  }
0xf: {  	[smem:$0x3FA4] =	sst s7  }
0x10: {  	[smem:$0x3FA5] =	sst s8  }
0x11: {  	[smem:$0x3FA6] =	sst s9;
	s0 =	simm.s32 @!p0 $0x0  }
0x12: {  	s1 =	sld [smem:$0x3F8C];
	s0 =	simm.s32 @p0 $0x1  }
0x13: {  	[smem:$0x3FA7] =	sst s0;
	s0 =	simm.s32 @!p1 $0x0  }
0x14: {  	s2 =	sld [smem:$0x3F8B];
	s0 =	simm.s32 @p1 $0x1  }
0x15: {  	[smem:$0x3FA8] =	sst s0;
	s0 =	simm.s32 @!p2 $0x0  }
0x16: {  	s3 =	sld [smem:$0x3FDB];
	s0 =	simm.s32 @p2 $0x1  }
0x17: {  	s4 =	simm.s32 $0x1BF5;
	[smem:$0x3FAA] =	sst s0  }
0x18: {  	s0 =	sld [smem:$0x3F8D];
	_ =	swait.ge [sflag:s4], $0x0  }
0x19: {  	s7 =	sld [smem:$0x3F8E]  }
0x1a: {  	s8 =	sadd.s32 $0xFFFFE003, lr  }
0x1b: {  	s9 =	sadd.s32 $0xFFFFFEF7, lr;
	s5 =	simm.s32 $0xFFFFFFFF;
	p2 =	slt.u32 s8, $0xFFFFF086  }
0x1c: {  	p1 =	slt.u32 s9, $0xF7A;
	s5 =	simm.s32 @!p2 $0x0  }
0x1d: {  	s5 =	simm.s32 @p1 $0x1;
	p0 =	seq.s32 s7, s2  }
0x1e: {  	s7 =	smul.u32 @!p0 $0xF7A, s2;
	p2 =	seq.s32 @!p0 s5, $0x0  }
0x1f: {  	s9 =	smul.u32 $0xF7A, s1;
	s8 =	simm.s32 @!p0 $0x1BF5;
	p2 =	por !p2, p0  }
0x20: {  	[sflag:s8] =	ssyncset.s32 @!p0 $0xFFFFF086;
	s6 =	sadd.s32 @!p0 s3, s7;
	s7 =	simm.s32 @!p0 $0x108  }
0x21: {  	s3 =	sadd.s32 s3, s9;
	s6 =	sadd.s32 @!p0 $0x88, s6;
	s7 =	simm.s32 @p2 $0x1082  }
0x22: {  	[simem:s7], [sflag:s8] =	dma.local @!p0 [hbm:s6], $0xF7A  }
0x23: {  	s9 =	sor.u32 $0xD0000000, s2;
	s6 =	simm.s32 $0x108;
	_ =	swait.ge @!p0 [sflag:s8], $0x0  }
0x24: {  	s3 =	sadd.s32 $0x88, s3;
	s6 =	simm.s32 @!p1 $0x1082;
	[sflag:s4] =	ssyncset.s32 $0xFFFFF086  }
0x25: {  	[simem:s6], [sflag:s4] =	dma.local [hbm:s3], $0xF7A  }
0x26: {  	[smem:$0x3F8E] =	sst s1;
	(tag) =	ssettag s2;
	_ =	strace s9  }
0x27: {  	s1 =	sld [smem:$0x3F9E]  }
0x28: {  	s2 =	sld [smem:$0x3F9F]  }
0x29: {  	s4 =	sld [smem:$0x3FA1]  }
0x2a: {  	p0 =	seq.s32 s5, $0x0;
	s5 =	sld [smem:$0x3FA2]  }
0x2b: {  	s6 =	sld [smem:$0x3FA3]  }
0x2c: {  	s7 =	sld [smem:$0x3FA4]  }
0x2d: {  	s3 =	simm.s32 $0x108;
	s8 =	sld [smem:$0x3FA5]  }
0x2e: {  	s3 =	simm.s32 @!p0 $0x1082;
	s9 =	sld [smem:$0x3FA6]  }
0x2f: {  	lr =	sadd.s32 s0, s3;
	s0 =	sld [smem:$0x3F9D]  }
0x30: {  	s3 =	sld [smem:$0x3FA0]  }
0x31: {  	[smem:$0x3FA9] =	sst s10  }
0x32: {  	s10 =	sld [smem:$0x3FA7];
	_ =	sdelay $0x3  }
0x33: {  	p0 =	seq.s32 s10, $0x1;
	s10 =	sld [smem:$0x3FA9];
	_ =	sdelay $0x3  }
0x34: {  	[smem:$0x3FA9] =	sst s10  }
0x35: {  	s10 =	sld [smem:$0x3FA8];
	_ =	sdelay $0x3  }
0x36: {  	p1 =	seq.s32 s10, $0x1;
	s10 =	sld [smem:$0x3FA9];
	_ =	sdelay $0x3  }
0x37: {  	[smem:$0x3FA9] =	sst s10  }
0x38: {  	s10 =	sld [smem:$0x3FAA]  }
0x39: {  	_ = 	snop;
	(pc) =	sbr.ind lr, $3  }
0x3a: {  	_ = 	snop  }
0x3b: {  	_ = 	snop  }
0x3c: {  	p2 =	seq.s32 s10, $0x1;
	s10 =	sld [smem:$0x3FA9]  }
0x3d: {  	_ =	shalt  }
0x3e: {  	_ =	shalt  }
0x3f: {  	_ =	shalt  }
0x40: {  	_ =	shalt  }
0x41: {  	_ =	shalt  }
0x42: {  	_ =	shalt  }
0x43: {  	_ =	shalt  }
0x44: {  	_ =	shalt  }
0x45: {  	_ =	shalt  }
0x46: {  	_ =	shalt  }
0x47: {  	_ =	shalt  }
0x48: {  	_ =	shalt  }
0x49: {  	_ =	shalt  }
0x4a: {  	_ =	shalt  }
0x4b: {  	_ =	shalt  }
0x4c: {  	_ =	shalt  }
0x4d: {  	_ =	shalt  }
0x4e: {  	_ =	shalt  }
0x4f: {  	_ =	shalt  }
0x50: {  	_ =	shalt  }
0x51: {  	_ =	shalt  }
0x52: {  	_ =	shalt  }
0x53: {  	_ =	shalt  }
0x54: {  	_ =	shalt  }
0x55: {  	_ =	shalt  }
0x56: {  	_ =	shalt  }
0x57: {  	_ =	shalt  }
0x58: {  	_ =	shalt  }
0x59: {  	_ =	shalt  }
0x5a: {  	_ =	shalt  }
0x5b: {  	_ =	shalt  }
0x5c: {  	_ =	shalt  }
0x5d: {  	_ =	shalt  }
0x5e: {  	_ =	shalt  }
0x5f: {  	_ =	shalt  }
0x60: {  	_ =	shalt  }
0x61: {  	_ =	shalt  }
0x62: {  	_ =	shalt  }
0x63: {  	_ =	shalt  }
0x64: {  	_ =	shalt  }
0x65: {  	_ =	shalt  }
0x66: {  	_ =	shalt  }
0x67: {  	_ =	shalt  }
0x68: {  	_ =	shalt  }
0x69: {  	_ =	shalt  }
0x6a: {  	_ =	shalt  }
0x6b: {  	_ =	shalt  }
0x6c: {  	_ =	shalt  }
0x6d: {  	_ =	shalt  }
0x6e: {  	_ =	shalt  }
0x6f: {  	_ =	shalt  }
0x70: {  	_ =	shalt  }
0x71: {  	_ =	shalt  }
0x72: {  	_ =	shalt  }
0x73: {  	_ =	shalt  }
0x74: {  	_ =	shalt  }
0x75: {  	_ =	shalt  }
0x76: {  	_ =	shalt  }
0x77: {  	_ =	shalt  }
0x78: {  	_ =	shalt  }
0x79: {  	_ =	shalt  }
0x7a: {  	_ =	shalt  }
0x7b: {  	_ =	shalt  }
0x7c: {  	_ =	shalt  }
0x7d: {  	_ =	shalt  }
0x7e: {  	_ =	shalt  }
0x7f: {  	_ =	shalt  }
0x80: {  	_ =	shalt  }
0x81: {  	_ =	shalt  }
0x82: {  	_ =	shalt  }
0x83: {  	_ =	shalt  }
0x84: {  	_ =	shalt  }
0x85: {  	_ =	shalt  }
0x86: {  	_ =	shalt  }
0x87: {  	_ =	shalt  }
.Lfunc_end0:
.L_simem_size_0:
called_computation_lowered:
.L_overlay_start_0:
0x88: {  	s2 =	sld [smem:$0x3FD9]  }
0x89: {  	s3 =	sld [smem:$0x3FFE];
	_ =	sdelay $0x1  }
0x8a: {  	s1 =	srdreg.scid  }
0x8b: {  	s0 =	sand.u32 $0x1, s1  }
0x8c: {  	s16 =	sshll.u32 s0, $0xA;
	s2 =	sadd.s32 s3, s2  }
0x8d: {  	s2 =	sadd.s32 s2, s16  }
0x8e: {  	[smem:$0x3FB5] =	sst s2  }
0x8f: {  	_ = 	snop  }
0x90: {  	(tm) =	ssettm $0x1  }
0x91: {  	s17 =	sld [smem:$0x3FFB];
	_ =	sdelay $0x3  }
0x92: {  	_ =	strace s17  }
0x93: {  	s2 =	sld [smem:$0x3FFC];
	_ =	sdelay $0x3  }
0x94: {  	_ =	strace s2  }
0x95: {  	s2 =	sld [smem:$0x3FFD];
	_ =	sdelay $0x3  }
0x96: {  	_ =	strace s2  }
0x97: {  	_ =	strace $0x8FFFFFFF  }
0x98: {  	s18 =	sld [smem:$0x3FDB];
	_ =	sdelay $0x1  }
0x99: {  	s19 =	simm.s32 $_scs_section_size  }
0x9a: {  	s4 =	simm.s32 $_size__tile_overlayer_lowered;
	s5 =	simm.s32 $_tile_overlayer_lowered  }
0x9b: {  	s22 =	simm.s32 $0x1BFF;
	s21 =	sshll.u32 s5, $0x1;
	s2 =	sadd.s32 s19, s18  }
0x9c: {  	s6 =	simm.s32 $0x0;
	s20 =	sshll.u32 s4, $0x1;
	s4 =	sadd.s32 s21, s2  }
0x9d: {  	[timem:s6], [sflag:s22] =	dma.local [hbm:s4], s20  }
0x9e: {  	_ =	swait.ge [sflag:s22], s20  }
0x9f: {  	s3 =	ssub.s32 $0x0, s20;
	[sflag:s22] =	ssyncset.done $0x0  }
0xa0: {  	[sflag:s22] =	ssyncadd.s32 s3;
	_ =	sdelay $0x1  }
0xa1: {  	s23 =	simm.s32 $0x1B8B  }
0xa2: {  	_ =	swait.ge [sflag:s23], $0x1  }
0xa3: {  	[sflag:s23] =	ssyncset.done $0x0  }
0xa4: {  	s25 =	simm.s32 $0x1B8E;
	s24 =	sld [smem:$0x3FFE];
	[sflag:s23] =	ssyncadd.s32 $0xFFFFFFFF  }
0xa5: {  	s26 =	simm.s32 $execute0_lowered;
	[smem:$0x3FD2] =	sst s25  }
0xa6: {  	s4 =	sshll.u32 s26, $0x1;
	_ =	strace $0x80000046;
	[dreg:$0x1] =	wrdreg $0xFFFFFFFF  }
0xa7: {  	s28 =	simm.s32 $_size_execute0_lowered;
	s2 =	sadd.s32 s2, s4;
	[dreg:$0x0] =	wrdreg $0x0  }
0xa8: {  	s4 =	sshll.u32 s28, $0x1;
	[dreg:$0x2] =	wrdreg s2  }
0xa9: {  	[dreg:$0x3] =	wrdreg s4  }
0xaa: {  	[dreg:$0x4] =	wrdreg $0xC0  }
0xab: {  	_ =	task [dreg:s6], $0x5FFFF  }
0xac: {  	[dreg:$0x1] =	wrdreg $0xFFFFFFFF  }
0xad: {  	[dreg:$0x0] =	wrdreg $0x60  }
0xae: {  	[dreg:$0x2] =	wrdreg s24  }
0xaf: {  	[dreg:$0x3] =	wrdreg $0x41000  }
0xb0: {  	[dreg:$0x4] =	wrdreg $0x9  }
0xb1: {  	_ =	task.clear_ibuf [dreg:s6], $0x5FFFF;
	_ =	strace $0x90000046  }
0xb2: {  	s29 =	simm.s32 $0x9;
	_ =	strace $0x80000048  }
0xb3: {  	_ =	swait.ge [sflag:s29], $0x1  }
0xb4: {  	[sflag:s29] =	ssyncadd.s32 $0xFFFFFFFF  }
0xb5: {  	_ =	strace $0x90000048  }
0xb6: {  	_ =	sfence  }
0xb7: {  	s30 =	sld [smem:$0x0];
	_ =	sdelay $0x2  }
0xb8: {  	s31 =	sshll.u32 s1, $0xD;
	s1 =	sshrl.u32 s1, $0x2  }
0xb9: {  	s3 =	sand.u32 $0x4000, s31;
	s1 =	sadd.s32 s1, s30  }
0xba: {  	s0 =	sor.u32 s3, s0;
	s1 =	sshll.u32 s1, $0x11  }
0xbb: {  	s0 =	sor.u32 s1, s0  }
0xbc: {  	s0 =	sadd.s32 $0x8F2B, s0  }
0xbd: {  	[sflag:s0] =	ssyncadd.remote.s32 $0x1  }
0xbe: {  	_ =	sfence.sel $0xFFFF  }
0xbf: {  	[dreg:$0x0] =	wrdreg $0xFFFFFFFF;
	(pc) =	sbr.abs _section_cstart, $3  }
0xc0: {  	[dreg:$0x1] =	wrdreg $0xFFFFFFFF  }
0xc1: {  	_ =	task.clear_ibuf [dreg:s6], $0x2FFFF;
	_ =	strace $0x9FFFFFFF  }
0xc2: {  	(tm) =	ssettm $0x7FFFFFFF  }
0xc3: {  	_ =	shalt  }
tec
execute0_lowered:
.L_overlay_start_1:
0x0: {  	(tag) =	ssettag $0x1  }
0x1: {  	s5 =	rddreg [dreg:$0x0]  }
0x2: {  	s2 =	rddreg [dreg:$0x1]  }
0x3: {  	s0 =	rddreg [dreg:$0x2];
	s1 =	stileid.u32  }
0x4: {  	s4 =	srdreg.scid;
	s3 =	simm.s32 $0x0;
	s6 =	smul.u32 $0x13A0, s1  }
0x5: {  	s15 =	simm.s32 $0x1;
	s16 =	simm.s32 $0x0;
	s7 =	smul.u32 $0x9D0, s1  }
0x6: {  	s8 =	sand.u32 $0x1, s4;
	[smem:$0x7FF] =	sst s3;
	s10 =	smul.u32 $0x280, s1  }
0x7: {  	s4 =	sadd.s32 $0x20E00, s5;
	s25 =	smul.u32 $0x50000, s1;
	s30 =	sshll.u32 s1, $0x6  }
0x8: {  	s9 =	smul.u32 $0x2800, s8;
	_ =	strace $0x80000047;
	s28 =	ssub.s32 $0x2, s8  }
0x9: {  	s8 =	sshll.u32 s8, $0x4;
	s11 =	sadd.s32 s6, s5;
	s12 =	sadd.s32 s7, s5  }
0xa: {  	s29 =	sshrl.u32 s28, $0x1;
	s6 =	sshrl.u32 s25, $0x2;
	s26 =	sadd.s32 s10, s9  }
0xb: {  	s9 =	ssub.s32 s28, s29;
	s14 =	sadd.s32 s6, s2;
	s6 =	sor.u32 $0x1C02, s30  }
0xc: {  	s31 =	sadd.s32 s8, s11;
	s7 =	sshll.u32 s26, $0x4;
	s8 =	smax.u32 s9, $0x1  }
0xd: {  	s9 =	sadd.s32 $0x17000, s12;
	s10 =	sadd.s32 $0x3600, s31;
	s11 =	sshrl.u32 s14, $0x3  }
0xe: {  	s12 =	simm.s32 $0x2;
	s14 =	simm.s32 $0x100;
	s13 =	sadd.s32 s7, s5  }
0xf: {  	s5 =	sadd.s32 s4, s7;
	s7 =	sadd.s32 $0x70E00, s13;
	s13 =	simm.s32 $0x80  }
.LBB2_1:
0x10: {  	[spmem:s11], [sflag:s6] =	dma.local [hbm:s5], $0x2800  }
0x11: {  	_ =	swait.ge [sflag:s12], $0x2800  }
0x12: {  	[sflag:s12] =	ssyncset.done $0x0  }
0x13: {  	[sflag:s12] =	ssyncadd.s32 $0xFFFFD800  }
0x14: {  	[bflag:$0x0] =	sbarrier.arrive $0xFFFF  }
0x15: {  	[tilespmem:s3], [sflag:$0x2] =	stream.linear.gather [hbm4b:s10+s3], $0x80, $0x38;
	[tilespmem:$0x18100] =	vst v63  }
0x16: {  	_ =	swait.ge [sflag:s12], $0x80  }
0x17: {  	[sflag:s12] =	ssyncset.done $0x0  }
0x18: {  	s17 =	sadd.s32 $0x0, s9;
	[sflag:s12] =	ssyncadd.s32 $0xFFFFFF80  }
0x19: {  	[tilespmem:s13], [sflag:$0x2] =	stream.linear.gather [hbm4b:s17+s3], $0x80, $0x38;
	[tilespmem:$0x18100] =	vst v63  }
0x1a: {  	_ =	swait.ge [sflag:s12], $0x80  }
0x1b: {  	[sflag:s12] =	ssyncset.done $0x0  }
0x1c: {  	[sflag:s12] =	ssyncadd.s32 $0xFFFFFF80  }
0x1d: {  	[tilespmem:s14], [sflag:$0x1] =	stream.indirect.gather [hbm4b:s4+s13], $0x80, s3, s13, $0xb8;
	[tilespmem:$0x18100] =	vst v63  }
0x1e: {  	_ =	swait.ge [sflag:s15], $0x4000  }
0x1f: {  	[sflag:s15] =	ssyncset.done $0x0  }
0x20: {  	[sflag:s15] =	ssyncadd.s32 $0xFFFFC000  }
0x21: {  	[spmem:s2] =	stream.indirect.scatter.add.f32 [tilespmem:s14], [sflag:$0x2], $0x80, s13, s13, $0xb8;
	[tilespmem:$0x18100] =	vst v63  }
0x22: {  	_ =	swait.ge [sflag:s12], $0x4000  }
0x23: {  	s18 =	smov.u32 s10;
	s17 =	simm.s32 $0x10;
	[sflag:s12] =	ssyncset.done $0x0  }
.LBB2_2:
0x24: {  	p0 =	sne.s32 s17, $0x9C0;
	[sflag:s12] =	ssyncadd.s32 $0xFFFFC000;
	s18 =	sadd.s32 $0x20, s18  }
0x25: {  	[tilespmem:s3], [sflag:$0x2] =	stream.linear.gather [hbm4b:s18+s3], $0x80, $0x38;
	[tilespmem:$0x18100] =	vst v63  }
0x26: {  	s19 =	smov.u32 s17;
	s17 =	sadd.s32 $0x10, s17;
	_ =	swait.ge [sflag:s12], $0x80  }
0x27: {  	[sflag:s12] =	ssyncset.done $0x0  }
0x28: {  	s19 =	sadd.s32 s19, s9;
	[sflag:s12] =	ssyncadd.s32 $0xFFFFFF80  }
0x29: {  	[tilespmem:s13], [sflag:$0x2] =	stream.linear.gather [hbm4b:s19+s3], $0x80, $0x38;
	[tilespmem:$0x18100] =	vst v63  }
0x2a: {  	_ =	swait.ge [sflag:s12], $0x80  }
0x2b: {  	[sflag:s12] =	ssyncset.done $0x0  }
0x2c: {  	[sflag:s12] =	ssyncadd.s32 $0xFFFFFF80  }
0x2d: {  	[tilespmem:s14], [sflag:$0x1] =	stream.indirect.gather [hbm4b:s4+s13], $0x80, s3, s13, $0xb8;
	[tilespmem:$0x18100] =	vst v63  }
0x2e: {  	_ =	swait.ge [sflag:s15], $0x4000  }
.Ltmp0:
0x2f: {  	[sflag:s15] =	ssyncset.done $0x0;
	(pc) =	sbr.rel @p0 .LBB2_2-.Ltmp0, $4  }
0x30: {  	[sflag:s15] =	ssyncadd.s32 $0xFFFFC000  }
0x31: {  	[spmem:s2] =	stream.indirect.scatter.add.f32 [tilespmem:s14], [sflag:$0x2], $0x80, s13, s13, $0xb8;
	[tilespmem:$0x18100] =	vst v63  }
0x32: {  	_ =	swait.ge [sflag:s12], $0x4000  }
0x33: {  	[sflag:s12] =	ssyncset.done $0x0  }
0x34: {  	s16 =	sadd.s32 $0x1, s16  }
0x35: {  	[sflag:s12] =	ssyncadd.s32 $0xFFFFC000;
	p0 =	sne.s32 s16, s8  }
.Ltmp1:
0x36: {  	[bflag:$0x0] =	sbarrier.arrive $0xFFFF;
	(pc) =	sbr.rel @p0 .LBB2_1-.Ltmp1, $4  }
0x37: {  	[hbm:s7], [sflag:s6] =	dma.local [spmem:s11], $0x2800  }
0x38: {  	_ =	swait.ge [sflag:s12], $0x2800  }
0x39: {  	[sflag:s12] =	ssyncset.done $0x0  }
0x3a: {  	[sflag:s12] =	ssyncadd.s32 $0xFFFFD800  }
0x3b: {  	_ =	sfence.sel $0x180000  }
0x3c: {  	[bflag:$0x0] =	sbarrier.arrive $0xFFFF  }
0x3d: {  	p0 =	sne.s32 s1, $0x0;
	_ =	strace $0x90000047  }
0x3e: {  	s0 =	sadd.s32 @!p0 $0x100000, s0;
	[bflag:$0x2] =	sbarrier.arrive $0xFFFF  }
0x3f: {  	[sflag:s0] =	ssyncadd.tile.s32 @!p0 $0x1;
	_ =	shalt  }
.Lfunc_end2:
_tile_overlayer_lowered:
.L_overlay_start_2:
0x40: {  	(tag) =	ssettag $0x2  }
0x41: {  	s0 =	rddreg [dreg:$0x0];
	s2 =	stileid.u32  }
0x42: {  	s1 =	rddreg [dreg:$0x1];
	p0 =	sne.s32 s2, $0x0  }
0x43: {  	s3 =	rddreg [dreg:$0x2];
	[bflag:$0x3] =	sbarrier.arrive $0xFFFF;
	s2 =	simm.s32 @!p0 $0x1C02  }
0x44: {  	[timem:s3], [sflag:s2] =	dma.local @!p0 [hbm:s0], s1  }
0x45: {  	s0 =	simm.s32 @!p0 $0x2  }
0x46: {  	_ =	swait.ge @!p0 [sflag:s0], s1  }
0x47: {  	s1 =	ssub.s32 @!p0 $0x0, s1;
	[sflag:s0] =	ssyncset.done @!p0 $0x0  }
0x48: {  	[sflag:s0] =	ssyncadd.s32 @!p0 s1  }
0x49: {  	[bflag:$0x3] =	sbarrier.arrive $0xFFFF  }
0x4a: {  	_ =	shalt  }

// kernel: kernel.14.cloned.1.call-start
scs
__scs_entry_jumppad:
0x0: {  	(pc) =	sbr.rel $0x88, $3  }
0x1: {  	(tag) =	ssettag $0x0;
	lr =	simm.s32 $0x1  }
0x2: {  	[smem:$0x3F8E] =	sst lr;
	_ =	strace $0xD0000000  }
0x3: {  	_ = 	snop  }
0x4: {  	_ = 	snop  }
0x5: {  	_ = 	snop  }
0x6: {  	_ = 	snop  }
0x7: {  	_ = 	snop  }
__scs_overlays_trampoline_lowered:
0x8: {  	[smem:$0x3F9D] =	sst s0  }
0x9: {  	[smem:$0x3F9E] =	sst s1  }
0xa: {  	[smem:$0x3F9F] =	sst s2  }
0xb: {  	[smem:$0x3FA0] =	sst s3  }
0xc: {  	[smem:$0x3FA1] =	sst s4  }
0xd: {  	[smem:$0x3FA2] =	sst s5  }
0xe: {  	[smem:$0x3FA3] =	sst s6  }
0xf: {  	[smem:$0x3FA4] =	sst s7  }
0x10: {  	[smem:$0x3FA5] =	sst s8  }
0x11: {  	[smem:$0x3FA6] =	sst s9;
	s0 =	simm.s32 @!p0 $0x0  }
0x12: {  	s1 =	sld [smem:$0x3F8C];
	s0 =	simm.s32 @p0 $0x1  }
0x13: {  	[smem:$0x3FA7] =	sst s0;
	s0 =	simm.s32 @!p1 $0x0  }
0x14: {  	s2 =	sld [smem:$0x3F8B];
	s0 =	simm.s32 @p1 $0x1  }
0x15: {  	[smem:$0x3FA8] =	sst s0;
	s0 =	simm.s32 @!p2 $0x0  }
0x16: {  	s3 =	sld [smem:$0x3FDB];
	s0 =	simm.s32 @p2 $0x1  }
0x17: {  	s4 =	simm.s32 $0x1BF5;
	[smem:$0x3FAA] =	sst s0  }
0x18: {  	s0 =	sld [smem:$0x3F8D];
	_ =	swait.ge [sflag:s4], $0x0  }
0x19: {  	s7 =	sld [smem:$0x3F8E]  }
0x1a: {  	s8 =	sadd.s32 $0xFFFFE003, lr  }
0x1b: {  	s9 =	sadd.s32 $0xFFFFFEF7, lr;
	s5 =	simm.s32 $0xFFFFFFFF;
	p2 =	slt.u32 s8, $0xFFFFF086  }
0x1c: {  	p1 =	slt.u32 s9, $0xF7A;
	s5 =	simm.s32 @!p2 $0x0  }
0x1d: {  	s5 =	simm.s32 @p1 $0x1;
	p0 =	seq.s32 s7, s2  }
0x1e: {  	s7 =	smul.u32 @!p0 $0xF7A, s2;
	p2 =	seq.s32 @!p0 s5, $0x0  }
0x1f: {  	s9 =	smul.u32 $0xF7A, s1;
	s8 =	simm.s32 @!p0 $0x1BF5;
	p2 =	por !p2, p0  }
0x20: {  	[sflag:s8] =	ssyncset.s32 @!p0 $0xFFFFF086;
	s6 =	sadd.s32 @!p0 s3, s7;
	s7 =	simm.s32 @!p0 $0x108  }
0x21: {  	s3 =	sadd.s32 s3, s9;
	s6 =	sadd.s32 @!p0 $0x88, s6;
	s7 =	simm.s32 @p2 $0x1082  }
0x22: {  	[simem:s7], [sflag:s8] =	dma.local @!p0 [hbm:s6], $0xF7A  }
0x23: {  	s9 =	sor.u32 $0xD0000000, s2;
	s6 =	simm.s32 $0x108;
	_ =	swait.ge @!p0 [sflag:s8], $0x0  }
0x24: {  	s3 =	sadd.s32 $0x88, s3;
	s6 =	simm.s32 @!p1 $0x1082;
	[sflag:s4] =	ssyncset.s32 $0xFFFFF086  }
0x25: {  	[simem:s6], [sflag:s4] =	dma.local [hbm:s3], $0xF7A  }
0x26: {  	[smem:$0x3F8E] =	sst s1;
	(tag) =	ssettag s2;
	_ =	strace s9  }
0x27: {  	s1 =	sld [smem:$0x3F9E]  }
0x28: {  	s2 =	sld [smem:$0x3F9F]  }
0x29: {  	s4 =	sld [smem:$0x3FA1]  }
0x2a: {  	p0 =	seq.s32 s5, $0x0;
	s5 =	sld [smem:$0x3FA2]  }
0x2b: {  	s6 =	sld [smem:$0x3FA3]  }
0x2c: {  	s7 =	sld [smem:$0x3FA4]  }
0x2d: {  	s3 =	simm.s32 $0x108;
	s8 =	sld [smem:$0x3FA5]  }
0x2e: {  	s3 =	simm.s32 @!p0 $0x1082;
	s9 =	sld [smem:$0x3FA6]  }
0x2f: {  	lr =	sadd.s32 s0, s3;
	s0 =	sld [smem:$0x3F9D]  }
0x30: {  	s3 =	sld [smem:$0x3FA0]  }
0x31: {  	[smem:$0x3FA9] =	sst s10  }
0x32: {  	s10 =	sld [smem:$0x3FA7];
	_ =	sdelay $0x3  }
0x33: {  	p0 =	seq.s32 s10, $0x1;
	s10 =	sld [smem:$0x3FA9];
	_ =	sdelay $0x3  }
0x34: {  	[smem:$0x3FA9] =	sst s10  }
0x35: {  	s10 =	sld [smem:$0x3FA8];
	_ =	sdelay $0x3  }
0x36: {  	p1 =	seq.s32 s10, $0x1;
	s10 =	sld [smem:$0x3FA9];
	_ =	sdelay $0x3  }
0x37: {  	[smem:$0x3FA9] =	sst s10  }
0x38: {  	s10 =	sld [smem:$0x3FAA]  }
0x39: {  	_ = 	snop;
	(pc) =	sbr.ind lr, $3  }
0x3a: {  	_ = 	snop  }
0x3b: {  	_ = 	snop  }
0x3c: {  	p2 =	seq.s32 s10, $0x1;
	s10 =	sld [smem:$0x3FA9]  }
0x3d: {  	_ =	shalt  }
0x3e: {  	_ =	shalt  }
0x3f: {  	_ =	shalt  }
0x40: {  	_ =	shalt  }
0x41: {  	_ =	shalt  }
0x42: {  	_ =	shalt  }
0x43: {  	_ =	shalt  }
0x44: {  	_ =	shalt  }
0x45: {  	_ =	shalt  }
0x46: {  	_ =	shalt  }
0x47: {  	_ =	shalt  }
0x48: {  	_ =	shalt  }
0x49: {  	_ =	shalt  }
0x4a: {  	_ =	shalt  }
0x4b: {  	_ =	shalt  }
0x4c: {  	_ =	shalt  }
0x4d: {  	_ =	shalt  }
0x4e: {  	_ =	shalt  }
0x4f: {  	_ =	shalt  }
0x50: {  	_ =	shalt  }
0x51: {  	_ =	shalt  }
0x52: {  	_ =	shalt  }
0x53: {  	_ =	shalt  }
0x54: {  	_ =	shalt  }
0x55: {  	_ =	shalt  }
0x56: {  	_ =	shalt  }
0x57: {  	_ =	shalt  }
0x58: {  	_ =	shalt  }
0x59: {  	_ =	shalt  }
0x5a: {  	_ =	shalt  }
0x5b: {  	_ =	shalt  }
0x5c: {  	_ =	shalt  }
0x5d: {  	_ =	shalt  }
0x5e: {  	_ =	shalt  }
0x5f: {  	_ =	shalt  }
0x60: {  	_ =	shalt  }
0x61: {  	_ =	shalt  }
0x62: {  	_ =	shalt  }
0x63: {  	_ =	shalt  }
0x64: {  	_ =	shalt  }
0x65: {  	_ =	shalt  }
0x66: {  	_ =	shalt  }
0x67: {  	_ =	shalt  }
0x68: {  	_ =	shalt  }
0x69: {  	_ =	shalt  }
0x6a: {  	_ =	shalt  }
0x6b: {  	_ =	shalt  }
0x6c: {  	_ =	shalt  }
0x6d: {  	_ =	shalt  }
0x6e: {  	_ =	shalt  }
0x6f: {  	_ =	shalt  }
0x70: {  	_ =	shalt  }
0x71: {  	_ =	shalt  }
0x72: {  	_ =	shalt  }
0x73: {  	_ =	shalt  }
0x74: {  	_ =	shalt  }
0x75: {  	_ =	shalt  }
0x76: {  	_ =	shalt  }
0x77: {  	_ =	shalt  }
0x78: {  	_ =	shalt  }
0x79: {  	_ =	shalt  }
0x7a: {  	_ =	shalt  }
0x7b: {  	_ =	shalt  }
0x7c: {  	_ =	shalt  }
0x7d: {  	_ =	shalt  }
0x7e: {  	_ =	shalt  }
0x7f: {  	_ =	shalt  }
0x80: {  	_ =	shalt  }
0x81: {  	_ =	shalt  }
0x82: {  	_ =	shalt  }
0x83: {  	_ =	shalt  }
0x84: {  	_ =	shalt  }
0x85: {  	_ =	shalt  }
0x86: {  	_ =	shalt  }
0x87: {  	_ =	shalt  }
.Lfunc_end0:
.L_simem_size_0:
called_computation.1_lowered:
.L_overlay_start_0:
0x88: {  	s2 =	sld [smem:$0x3FD9]  }
0x89: {  	s3 =	sld [smem:$0x3FFE];
	_ =	sdelay $0x1  }
0x8a: {  	s1 =	srdreg.scid  }
0x8b: {  	s0 =	sand.u32 $0x1, s1  }
0x8c: {  	s16 =	sshll.u32 s0, $0xA;
	s2 =	sadd.s32 s3, s2  }
0x8d: {  	s2 =	sadd.s32 s2, s16  }
0x8e: {  	[smem:$0x3FB5] =	sst s2  }
0x8f: {  	_ = 	snop  }
0x90: {  	(tm) =	ssettm $0x1  }
0x91: {  	s17 =	sld [smem:$0x3FFB];
	_ =	sdelay $0x3  }
0x92: {  	_ =	strace s17  }
0x93: {  	s2 =	sld [smem:$0x3FFC];
	_ =	sdelay $0x3  }
0x94: {  	_ =	strace s2  }
0x95: {  	s2 =	sld [smem:$0x3FFD];
	_ =	sdelay $0x3  }
0x96: {  	_ =	strace s2  }
0x97: {  	_ =	strace $0x8FFFFFFF  }
0x98: {  	s18 =	sld [smem:$0x3FDB];
	_ =	sdelay $0x1  }
0x99: {  	s19 =	simm.s32 $_scs_section_size  }
0x9a: {  	s4 =	simm.s32 $_size__tile_overlayer_lowered;
	s5 =	simm.s32 $_tile_overlayer_lowered  }
0x9b: {  	s22 =	simm.s32 $0x1BFF;
	s21 =	sshll.u32 s5, $0x1;
	s2 =	sadd.s32 s19, s18  }
0x9c: {  	s6 =	simm.s32 $0x0;
	s20 =	sshll.u32 s4, $0x1;
	s4 =	sadd.s32 s21, s2  }
0x9d: {  	[timem:s6], [sflag:s22] =	dma.local [hbm:s4], s20  }
0x9e: {  	_ =	swait.ge [sflag:s22], s20  }
0x9f: {  	s3 =	ssub.s32 $0x0, s20;
	[sflag:s22] =	ssyncset.done $0x0  }
0xa0: {  	[sflag:s22] =	ssyncadd.s32 s3;
	_ =	sdelay $0x1  }
0xa1: {  	s23 =	simm.s32 $0x1B8B  }
0xa2: {  	_ =	swait.ge [sflag:s23], $0x1  }
0xa3: {  	[sflag:s23] =	ssyncset.done $0x0  }
0xa4: {  	s25 =	simm.s32 $0x1B8E;
	s24 =	sld [smem:$0x3FFE];
	[sflag:s23] =	ssyncadd.s32 $0xFFFFFFFF  }
0xa5: {  	s26 =	simm.s32 $execute0_lowered;
	[smem:$0x3FD2] =	sst s25  }
0xa6: {  	s4 =	sshll.u32 s26, $0x1;
	_ =	strace $0x80000049;
	[dreg:$0x1] =	wrdreg $0xFFFFFFFF  }
0xa7: {  	s28 =	simm.s32 $_size_execute0_lowered;
	s2 =	sadd.s32 s2, s4;
	[dreg:$0x0] =	wrdreg $0x0  }
0xa8: {  	s4 =	sshll.u32 s28, $0x1;
	[dreg:$0x2] =	wrdreg s2  }
0xa9: {  	[dreg:$0x3] =	wrdreg s4  }
0xaa: {  	[dreg:$0x4] =	wrdreg $0xC0  }
0xab: {  	_ =	task [dreg:s6], $0x5FFFF  }
0xac: {  	[dreg:$0x1] =	wrdreg $0xFFFFFFFF  }
0xad: {  	[dreg:$0x0] =	wrdreg $0x60  }
0xae: {  	[dreg:$0x2] =	wrdreg s24  }
0xaf: {  	[dreg:$0x3] =	wrdreg $0x41000  }
0xb0: {  	[dreg:$0x4] =	wrdreg $0x9  }
0xb1: {  	_ =	task.clear_ibuf [dreg:s6], $0x5FFFF;
	_ =	strace $0x90000049  }
0xb2: {  	s29 =	simm.s32 $0x9;
	_ =	strace $0x8000004B  }
0xb3: {  	_ =	swait.ge [sflag:s29], $0x1  }
0xb4: {  	[sflag:s29] =	ssyncadd.s32 $0xFFFFFFFF  }
0xb5: {  	_ =	strace $0x9000004B  }
0xb6: {  	_ =	sfence  }
0xb7: {  	s30 =	sld [smem:$0x0];
	_ =	sdelay $0x2  }
0xb8: {  	s31 =	sshll.u32 s1, $0xD;
	s1 =	sshrl.u32 s1, $0x2  }
0xb9: {  	s3 =	sand.u32 $0x4000, s31;
	s1 =	sadd.s32 s1, s30  }
0xba: {  	s0 =	sor.u32 s3, s0;
	s1 =	sshll.u32 s1, $0x11  }
0xbb: {  	s0 =	sor.u32 s1, s0  }
0xbc: {  	s0 =	sadd.s32 $0x8F2B, s0  }
0xbd: {  	[sflag:s0] =	ssyncadd.remote.s32 $0x1  }
0xbe: {  	_ =	sfence.sel $0xFFFF  }
0xbf: {  	[dreg:$0x0] =	wrdreg $0xFFFFFFFF;
	(pc) =	sbr.abs _section_cstart, $3  }
0xc0: {  	[dreg:$0x1] =	wrdreg $0xFFFFFFFF  }
0xc1: {  	_ =	task.clear_ibuf [dreg:s6], $0x2FFFF;
	_ =	strace $0x9FFFFFFF  }
0xc2: {  	(tm) =	ssettm $0x7FFFFFFF  }
0xc3: {  	_ =	shalt  }
tec
execute0_lowered:
.L_overlay_start_1:
0x0: {  	(tag) =	ssettag $0x1  }
0x1: {  	s5 =	rddreg [dreg:$0x0]  }
0x2: {  	s2 =	rddreg [dreg:$0x1]  }
0x3: {  	s0 =	rddreg [dreg:$0x2];
	s1 =	stileid.u32  }
0x4: {  	s4 =	srdreg.scid;
	s3 =	simm.s32 $0x0;
	s6 =	smul.u32 $0x13A0, s1  }
0x5: {  	s15 =	simm.s32 $0x1;
	s16 =	simm.s32 $0x0;
	s7 =	smul.u32 $0x9D0, s1  }
0x6: {  	s8 =	sand.u32 $0x1, s4;
	[smem:$0x7FF] =	sst s3;
	s10 =	smul.u32 $0x280, s1  }
0x7: {  	s4 =	sadd.s32 $0x20E00, s5;
	s25 =	smul.u32 $0x50000, s1;
	s30 =	sshll.u32 s1, $0x6  }
0x8: {  	s9 =	smul.u32 $0x2800, s8;
	_ =	strace $0x8000004A;
	s28 =	ssub.s32 $0x2, s8  }
0x9: {  	s8 =	sshll.u32 s8, $0x4;
	s11 =	sadd.s32 s6, s5;
	s12 =	sadd.s32 s7, s5  }
0xa: {  	s29 =	sshrl.u32 s28, $0x1;
	s6 =	sshrl.u32 s25, $0x2;
	s26 =	sadd.s32 s10, s9  }
0xb: {  	s9 =	ssub.s32 s28, s29;
	s14 =	sadd.s32 s6, s2;
	s6 =	sor.u32 $0x1C02, s30  }
0xc: {  	s31 =	sadd.s32 s8, s11;
	s7 =	sshll.u32 s26, $0x4;
	s8 =	smax.u32 s9, $0x1  }
0xd: {  	s9 =	sadd.s32 $0x17000, s12;
	s10 =	sadd.s32 $0x3600, s31;
	s11 =	sshrl.u32 s14, $0x3  }
0xe: {  	s12 =	simm.s32 $0x2;
	s14 =	simm.s32 $0x100;
	s13 =	sadd.s32 s7, s5  }
0xf: {  	s5 =	sadd.s32 s4, s7;
	s7 =	sadd.s32 $0x70E00, s13;
	s13 =	simm.s32 $0x80  }
.LBB2_1:
0x10: {  	[spmem:s11], [sflag:s6] =	dma.local [hbm:s5], $0x2800  }
0x11: {  	_ =	swait.ge [sflag:s12], $0x2800  }
0x12: {  	[sflag:s12] =	ssyncset.done $0x0  }
0x13: {  	[sflag:s12] =	ssyncadd.s32 $0xFFFFD800  }
0x14: {  	[bflag:$0x0] =	sbarrier.arrive $0xFFFF  }
0x15: {  	[tilespmem:s3], [sflag:$0x2] =	stream.linear.gather [hbm4b:s10+s3], $0x80, $0x38;
	[tilespmem:$0x18100] =	vst v63  }
0x16: {  	_ =	swait.ge [sflag:s12], $0x80  }
0x17: {  	[sflag:s12] =	ssyncset.done $0x0  }
0x18: {  	s17 =	sadd.s32 $0x0, s9;
	[sflag:s12] =	ssyncadd.s32 $0xFFFFFF80  }
0x19: {  	[tilespmem:s13], [sflag:$0x2] =	stream.linear.gather [hbm4b:s17+s3], $0x80, $0x38;
	[tilespmem:$0x18100] =	vst v63  }
0x1a: {  	_ =	swait.ge [sflag:s12], $0x80  }
0x1b: {  	[sflag:s12] =	ssyncset.done $0x0  }
0x1c: {  	[sflag:s12] =	ssyncadd.s32 $0xFFFFFF80  }
0x1d: {  	[tilespmem:s14], [sflag:$0x1] =	stream.indirect.gather [hbm4b:s4+s13], $0x80, s3, s13, $0xb8;
	[tilespmem:$0x18100] =	vst v63  }
0x1e: {  	_ =	swait.ge [sflag:s15], $0x4000  }
0x1f: {  	[sflag:s15] =	ssyncset.done $0x0  }
0x20: {  	[sflag:s15] =	ssyncadd.s32 $0xFFFFC000  }
0x21: {  	[spmem:s2] =	stream.indirect.scatter.add.f32 [tilespmem:s14], [sflag:$0x2], $0x80, s13, s13, $0xb8;
	[tilespmem:$0x18100] =	vst v63  }
0x22: {  	_ =	swait.ge [sflag:s12], $0x4000  }
0x23: {  	s18 =	smov.u32 s10;
	s17 =	simm.s32 $0x10;
	[sflag:s12] =	ssyncset.done $0x0  }
.LBB2_2:
0x24: {  	p0 =	sne.s32 s17, $0x9C0;
	[sflag:s12] =	ssyncadd.s32 $0xFFFFC000;
	s18 =	sadd.s32 $0x20, s18  }
0x25: {  	[tilespmem:s3], [sflag:$0x2] =	stream.linear.gather [hbm4b:s18+s3], $0x80, $0x38;
	[tilespmem:$0x18100] =	vst v63  }
0x26: {  	s19 =	smov.u32 s17;
	s17 =	sadd.s32 $0x10, s17;
	_ =	swait.ge [sflag:s12], $0x80  }
0x27: {  	[sflag:s12] =	ssyncset.done $0x0  }
0x28: {  	s19 =	sadd.s32 s19, s9;
	[sflag:s12] =	ssyncadd.s32 $0xFFFFFF80  }
0x29: {  	[tilespmem:s13], [sflag:$0x2] =	stream.linear.gather [hbm4b:s19+s3], $0x80, $0x38;
	[tilespmem:$0x18100] =	vst v63  }
0x2a: {  	_ =	swait.ge [sflag:s12], $0x80  }
0x2b: {  	[sflag:s12] =	ssyncset.done $0x0  }
0x2c: {  	[sflag:s12] =	ssyncadd.s32 $0xFFFFFF80  }
0x2d: {  	[tilespmem:s14], [sflag:$0x1] =	stream.indirect.gather [hbm4b:s4+s13], $0x80, s3, s13, $0xb8;
	[tilespmem:$0x18100] =	vst v63  }
0x2e: {  	_ =	swait.ge [sflag:s15], $0x4000  }
.Ltmp0:
0x2f: {  	[sflag:s15] =	ssyncset.done $0x0;
	(pc) =	sbr.rel @p0 .LBB2_2-.Ltmp0, $4  }
0x30: {  	[sflag:s15] =	ssyncadd.s32 $0xFFFFC000  }
0x31: {  	[spmem:s2] =	stream.indirect.scatter.add.f32 [tilespmem:s14], [sflag:$0x2], $0x80, s13, s13, $0xb8;
	[tilespmem:$0x18100] =	vst v63  }
0x32: {  	_ =	swait.ge [sflag:s12], $0x4000  }
0x33: {  	[sflag:s12] =	ssyncset.done $0x0  }
0x34: {  	s16 =	sadd.s32 $0x1, s16  }
0x35: {  	[sflag:s12] =	ssyncadd.s32 $0xFFFFC000;
	p0 =	sne.s32 s16, s8  }
.Ltmp1:
0x36: {  	[bflag:$0x0] =	sbarrier.arrive $0xFFFF;
	(pc) =	sbr.rel @p0 .LBB2_1-.Ltmp1, $4  }
0x37: {  	[hbm:s7], [sflag:s6] =	dma.local [spmem:s11], $0x2800  }
0x38: {  	_ =	swait.ge [sflag:s12], $0x2800  }
0x39: {  	[sflag:s12] =	ssyncset.done $0x0  }
0x3a: {  	[sflag:s12] =	ssyncadd.s32 $0xFFFFD800  }
0x3b: {  	_ =	sfence.sel $0x180000  }
0x3c: {  	[bflag:$0x0] =	sbarrier.arrive $0xFFFF  }
0x3d: {  	p0 =	sne.s32 s1, $0x0;
	_ =	strace $0x9000004A  }
0x3e: {  	s0 =	sadd.s32 @!p0 $0x100000, s0;
	[bflag:$0x2] =	sbarrier.arrive $0xFFFF  }
0x3f: {  	[sflag:s0] =	ssyncadd.tile.s32 @!p0 $0x1;
	_ =	shalt  }
.Lfunc_end2:
_tile_overlayer_lowered:
.L_overlay_start_2:
0x40: {  	(tag) =	ssettag $0x2  }
0x41: {  	s0 =	rddreg [dreg:$0x0];
	s2 =	stileid.u32  }
0x42: {  	s1 =	rddreg [dreg:$0x1];
	p0 =	sne.s32 s2, $0x0  }
0x43: {  	s3 =	rddreg [dreg:$0x2];
	[bflag:$0x3] =	sbarrier.arrive $0xFFFF;
	s2 =	simm.s32 @!p0 $0x1C02  }
0x44: {  	[timem:s3], [sflag:s2] =	dma.local @!p0 [hbm:s0], s1  }
0x45: {  	s0 =	simm.s32 @!p0 $0x2  }
0x46: {  	_ =	swait.ge @!p0 [sflag:s0], s1  }
0x47: {  	s1 =	ssub.s32 @!p0 $0x0, s1;
	[sflag:s0] =	ssyncset.done @!p0 $0x0  }
0x48: {  	[sflag:s0] =	ssyncadd.s32 @!p0 s1  }
0x49: {  	[bflag:$0x3] =	sbarrier.arrive $0xFFFF  }
0x4a: {  	_ =	shalt  }

// kernel: kernel.17.cloned.1.call-start
scs
__scs_entry_jumppad:
0x0: {  	(pc) =	sbr.rel $0x88, $3  }
0x1: {  	(tag) =	ssettag $0x0;
	lr =	simm.s32 $0x1  }
0x2: {  	[smem:$0x3F8E] =	sst lr;
	_ =	strace $0xD0000000  }
0x3: {  	_ = 	snop  }
0x4: {  	_ = 	snop  }
0x5: {  	_ = 	snop  }
0x6: {  	_ = 	snop  }
0x7: {  	_ = 	snop  }
__scs_overlays_trampoline_lowered:
0x8: {  	[smem:$0x3F9D] =	sst s0  }
0x9: {  	[smem:$0x3F9E] =	sst s1  }
0xa: {  	[smem:$0x3F9F] =	sst s2  }
0xb: {  	[smem:$0x3FA0] =	sst s3  }
0xc: {  	[smem:$0x3FA1] =	sst s4  }
0xd: {  	[smem:$0x3FA2] =	sst s5  }
0xe: {  	[smem:$0x3FA3] =	sst s6  }
0xf: {  	[smem:$0x3FA4] =	sst s7  }
0x10: {  	[smem:$0x3FA5] =	sst s8  }
0x11: {  	[smem:$0x3FA6] =	sst s9;
	s0 =	simm.s32 @!p0 $0x0  }
0x12: {  	s1 =	sld [smem:$0x3F8C];
	s0 =	simm.s32 @p0 $0x1  }
0x13: {  	[smem:$0x3FA7] =	sst s0;
	s0 =	simm.s32 @!p1 $0x0  }
0x14: {  	s2 =	sld [smem:$0x3F8B];
	s0 =	simm.s32 @p1 $0x1  }
0x15: {  	[smem:$0x3FA8] =	sst s0;
	s0 =	simm.s32 @!p2 $0x0  }
0x16: {  	s3 =	sld [smem:$0x3FDB];
	s0 =	simm.s32 @p2 $0x1  }
0x17: {  	s4 =	simm.s32 $0x1BF5;
	[smem:$0x3FAA] =	sst s0  }
0x18: {  	s0 =	sld [smem:$0x3F8D];
	_ =	swait.ge [sflag:s4], $0x0  }
0x19: {  	s7 =	sld [smem:$0x3F8E]  }
0x1a: {  	s8 =	sadd.s32 $0xFFFFE003, lr  }
0x1b: {  	s9 =	sadd.s32 $0xFFFFFEF7, lr;
	s5 =	simm.s32 $0xFFFFFFFF;
	p2 =	slt.u32 s8, $0xFFFFF086  }
0x1c: {  	p1 =	slt.u32 s9, $0xF7A;
	s5 =	simm.s32 @!p2 $0x0  }
0x1d: {  	s5 =	simm.s32 @p1 $0x1;
	p0 =	seq.s32 s7, s2  }
0x1e: {  	s7 =	smul.u32 @!p0 $0xF7A, s2;
	p2 =	seq.s32 @!p0 s5, $0x0  }
0x1f: {  	s9 =	smul.u32 $0xF7A, s1;
	s8 =	simm.s32 @!p0 $0x1BF5;
	p2 =	por !p2, p0  }
0x20: {  	[sflag:s8] =	ssyncset.s32 @!p0 $0xFFFFF086;
	s6 =	sadd.s32 @!p0 s3, s7;
	s7 =	simm.s32 @!p0 $0x108  }
0x21: {  	s3 =	sadd.s32 s3, s9;
	s6 =	sadd.s32 @!p0 $0x88, s6;
	s7 =	simm.s32 @p2 $0x1082  }
0x22: {  	[simem:s7], [sflag:s8] =	dma.local @!p0 [hbm:s6], $0xF7A  }
0x23: {  	s9 =	sor.u32 $0xD0000000, s2;
	s6 =	simm.s32 $0x108;
	_ =	swait.ge @!p0 [sflag:s8], $0x0  }
0x24: {  	s3 =	sadd.s32 $0x88, s3;
	s6 =	simm.s32 @!p1 $0x1082;
	[sflag:s4] =	ssyncset.s32 $0xFFFFF086  }
0x25: {  	[simem:s6], [sflag:s4] =	dma.local [hbm:s3], $0xF7A  }
0x26: {  	[smem:$0x3F8E] =	sst s1;
	(tag) =	ssettag s2;
	_ =	strace s9  }
0x27: {  	s1 =	sld [smem:$0x3F9E]  }
0x28: {  	s2 =	sld [smem:$0x3F9F]  }
0x29: {  	s4 =	sld [smem:$0x3FA1]  }
0x2a: {  	p0 =	seq.s32 s5, $0x0;
	s5 =	sld [smem:$0x3FA2]  }
0x2b: {  	s6 =	sld [smem:$0x3FA3]  }
0x2c: {  	s7 =	sld [smem:$0x3FA4]  }
0x2d: {  	s3 =	simm.s32 $0x108;
	s8 =	sld [smem:$0x3FA5]  }
0x2e: {  	s3 =	simm.s32 @!p0 $0x1082;
	s9 =	sld [smem:$0x3FA6]  }
0x2f: {  	lr =	sadd.s32 s0, s3;
	s0 =	sld [smem:$0x3F9D]  }
0x30: {  	s3 =	sld [smem:$0x3FA0]  }
0x31: {  	[smem:$0x3FA9] =	sst s10  }
0x32: {  	s10 =	sld [smem:$0x3FA7];
	_ =	sdelay $0x3  }
0x33: {  	p0 =	seq.s32 s10, $0x1;
	s10 =	sld [smem:$0x3FA9];
	_ =	sdelay $0x3  }
0x34: {  	[smem:$0x3FA9] =	sst s10  }
0x35: {  	s10 =	sld [smem:$0x3FA8];
	_ =	sdelay $0x3  }
0x36: {  	p1 =	seq.s32 s10, $0x1;
	s10 =	sld [smem:$0x3FA9];
	_ =	sdelay $0x3  }
0x37: {  	[smem:$0x3FA9] =	sst s10  }
0x38: {  	s10 =	sld [smem:$0x3FAA]  }
0x39: {  	_ = 	snop;
	(pc) =	sbr.ind lr, $3  }
0x3a: {  	_ = 	snop  }
0x3b: {  	_ = 	snop  }
0x3c: {  	p2 =	seq.s32 s10, $0x1;
	s10 =	sld [smem:$0x3FA9]  }
0x3d: {  	_ =	shalt  }
0x3e: {  	_ =	shalt  }
0x3f: {  	_ =	shalt  }
0x40: {  	_ =	shalt  }
0x41: {  	_ =	shalt  }
0x42: {  	_ =	shalt  }
0x43: {  	_ =	shalt  }
0x44: {  	_ =	shalt  }
0x45: {  	_ =	shalt  }
0x46: {  	_ =	shalt  }
0x47: {  	_ =	shalt  }
0x48: {  	_ =	shalt  }
0x49: {  	_ =	shalt  }
0x4a: {  	_ =	shalt  }
0x4b: {  	_ =	shalt  }
0x4c: {  	_ =	shalt  }
0x4d: {  	_ =	shalt  }
0x4e: {  	_ =	shalt  }
0x4f: {  	_ =	shalt  }
0x50: {  	_ =	shalt  }
0x51: {  	_ =	shalt  }
0x52: {  	_ =	shalt  }
0x53: {  	_ =	shalt  }
0x54: {  	_ =	shalt  }
0x55: {  	_ =	shalt  }
0x56: {  	_ =	shalt  }
0x57: {  	_ =	shalt  }
0x58: {  	_ =	shalt  }
0x59: {  	_ =	shalt  }
0x5a: {  	_ =	shalt  }
0x5b: {  	_ =	shalt  }
0x5c: {  	_ =	shalt  }
0x5d: {  	_ =	shalt  }
0x5e: {  	_ =	shalt  }
0x5f: {  	_ =	shalt  }
0x60: {  	_ =	shalt  }
0x61: {  	_ =	shalt  }
0x62: {  	_ =	shalt  }
0x63: {  	_ =	shalt  }
0x64: {  	_ =	shalt  }
0x65: {  	_ =	shalt  }
0x66: {  	_ =	shalt  }
0x67: {  	_ =	shalt  }
0x68: {  	_ =	shalt  }
0x69: {  	_ =	shalt  }
0x6a: {  	_ =	shalt  }
0x6b: {  	_ =	shalt  }
0x6c: {  	_ =	shalt  }
0x6d: {  	_ =	shalt  }
0x6e: {  	_ =	shalt  }
0x6f: {  	_ =	shalt  }
0x70: {  	_ =	shalt  }
0x71: {  	_ =	shalt  }
0x72: {  	_ =	shalt  }
0x73: {  	_ =	shalt  }
0x74: {  	_ =	shalt  }
0x75: {  	_ =	shalt  }
0x76: {  	_ =	shalt  }
0x77: {  	_ =	shalt  }
0x78: {  	_ =	shalt  }
0x79: {  	_ =	shalt  }
0x7a: {  	_ =	shalt  }
0x7b: {  	_ =	shalt  }
0x7c: {  	_ =	shalt  }
0x7d: {  	_ =	shalt  }
0x7e: {  	_ =	shalt  }
0x7f: {  	_ =	shalt  }
0x80: {  	_ =	shalt  }
0x81: {  	_ =	shalt  }
0x82: {  	_ =	shalt  }
0x83: {  	_ =	shalt  }
0x84: {  	_ =	shalt  }
0x85: {  	_ =	shalt  }
0x86: {  	_ =	shalt  }
0x87: {  	_ =	shalt  }
.Lfunc_end0:
.L_simem_size_0:
called_computation.2_lowered:
.L_overlay_start_0:
0x88: {  	s2 =	sld [smem:$0x3FD9]  }
0x89: {  	s3 =	sld [smem:$0x3FFE];
	_ =	sdelay $0x1  }
0x8a: {  	s1 =	srdreg.scid  }
0x8b: {  	s0 =	sand.u32 $0x1, s1  }
0x8c: {  	s16 =	sshll.u32 s0, $0xA;
	s2 =	sadd.s32 s3, s2  }
0x8d: {  	s2 =	sadd.s32 s2, s16  }
0x8e: {  	[smem:$0x3FB5] =	sst s2  }
0x8f: {  	_ = 	snop  }
0x90: {  	(tm) =	ssettm $0x1  }
0x91: {  	s17 =	sld [smem:$0x3FFB];
	_ =	sdelay $0x3  }
0x92: {  	_ =	strace s17  }
0x93: {  	s2 =	sld [smem:$0x3FFC];
	_ =	sdelay $0x3  }
0x94: {  	_ =	strace s2  }
0x95: {  	s2 =	sld [smem:$0x3FFD];
	_ =	sdelay $0x3  }
0x96: {  	_ =	strace s2  }
0x97: {  	_ =	strace $0x8FFFFFFF  }
0x98: {  	s18 =	sld [smem:$0x3FDB];
	_ =	sdelay $0x1  }
0x99: {  	s19 =	simm.s32 $_scs_section_size  }
0x9a: {  	s4 =	simm.s32 $_size__tile_overlayer_lowered;
	s5 =	simm.s32 $_tile_overlayer_lowered  }
0x9b: {  	s22 =	simm.s32 $0x1BFF;
	s21 =	sshll.u32 s5, $0x1;
	s2 =	sadd.s32 s19, s18  }
0x9c: {  	s6 =	simm.s32 $0x0;
	s20 =	sshll.u32 s4, $0x1;
	s4 =	sadd.s32 s21, s2  }
0x9d: {  	[timem:s6], [sflag:s22] =	dma.local [hbm:s4], s20  }
0x9e: {  	_ =	swait.ge [sflag:s22], s20  }
0x9f: {  	s3 =	ssub.s32 $0x0, s20;
	[sflag:s22] =	ssyncset.done $0x0  }
0xa0: {  	[sflag:s22] =	ssyncadd.s32 s3;
	_ =	sdelay $0x1  }
0xa1: {  	s23 =	simm.s32 $0x1B8B  }
0xa2: {  	_ =	swait.ge [sflag:s23], $0x1  }
0xa3: {  	[sflag:s23] =	ssyncset.done $0x0  }
0xa4: {  	s25 =	simm.s32 $0x1B8E;
	s24 =	sld [smem:$0x3FFE];
	[sflag:s23] =	ssyncadd.s32 $0xFFFFFFFF  }
0xa5: {  	s26 =	simm.s32 $execute0_lowered;
	[smem:$0x3FD2] =	sst s25  }
0xa6: {  	s4 =	sshll.u32 s26, $0x1;
	_ =	strace $0x8000004C;
	[dreg:$0x1] =	wrdreg $0xFFFFFFFF  }
0xa7: {  	s28 =	simm.s32 $_size_execute0_lowered;
	s2 =	sadd.s32 s2, s4;
	[dreg:$0x0] =	wrdreg $0x0  }
0xa8: {  	s4 =	sshll.u32 s28, $0x1;
	[dreg:$0x2] =	wrdreg s2  }
0xa9: {  	[dreg:$0x3] =	wrdreg s4  }
0xaa: {  	[dreg:$0x4] =	wrdreg $0xC0  }
0xab: {  	_ =	task [dreg:s6], $0x5FFFF  }
0xac: {  	[dreg:$0x1] =	wrdreg $0xFFFFFFFF  }
0xad: {  	[dreg:$0x0] =	wrdreg $0x60  }
0xae: {  	[dreg:$0x2] =	wrdreg s24  }
0xaf: {  	[dreg:$0x3] =	wrdreg $0x41000  }
0xb0: {  	[dreg:$0x4] =	wrdreg $0x9  }
0xb1: {  	_ =	task.clear_ibuf [dreg:s6], $0x5FFFF;
	_ =	strace $0x9000004C  }
0xb2: {  	s29 =	simm.s32 $0x9;
	_ =	strace $0x8000004E  }
0xb3: {  	_ =	swait.ge [sflag:s29], $0x1  }
0xb4: {  	[sflag:s29] =	ssyncadd.s32 $0xFFFFFFFF  }
0xb5: {  	_ =	strace $0x9000004E  }
0xb6: {  	_ =	sfence  }
0xb7: {  	s30 =	sld [smem:$0x0];
	_ =	sdelay $0x2  }
0xb8: {  	s31 =	sshll.u32 s1, $0xD;
	s1 =	sshrl.u32 s1, $0x2  }
0xb9: {  	s3 =	sand.u32 $0x4000, s31;
	s1 =	sadd.s32 s1, s30  }
0xba: {  	s0 =	sor.u32 s3, s0;
	s1 =	sshll.u32 s1, $0x11  }
0xbb: {  	s0 =	sor.u32 s1, s0  }
0xbc: {  	s0 =	sadd.s32 $0x8F2B, s0  }
0xbd: {  	[sflag:s0] =	ssyncadd.remote.s32 $0x1  }
0xbe: {  	_ =	sfence.sel $0xFFFF  }
0xbf: {  	[dreg:$0x0] =	wrdreg $0xFFFFFFFF;
	(pc) =	sbr.abs _section_cstart, $3  }
0xc0: {  	[dreg:$0x1] =	wrdreg $0xFFFFFFFF  }
0xc1: {  	_ =	task.clear_ibuf [dreg:s6], $0x2FFFF;
	_ =	strace $0x9FFFFFFF  }
0xc2: {  	(tm) =	ssettm $0x7FFFFFFF  }
0xc3: {  	_ =	shalt  }
tec
execute0_lowered:
.L_overlay_start_1:
0x0: {  	(tag) =	ssettag $0x1  }
0x1: {  	s5 =	rddreg [dreg:$0x0]  }
0x2: {  	s2 =	rddreg [dreg:$0x1]  }
0x3: {  	s0 =	rddreg [dreg:$0x2];
	s1 =	stileid.u32  }
0x4: {  	s4 =	srdreg.scid;
	s3 =	simm.s32 $0x0;
	s6 =	smul.u32 $0x13A0, s1  }
0x5: {  	s15 =	simm.s32 $0x1;
	s16 =	simm.s32 $0x0;
	s7 =	smul.u32 $0x9D0, s1  }
0x6: {  	s8 =	sand.u32 $0x1, s4;
	[smem:$0x7FF] =	sst s3;
	s10 =	smul.u32 $0x280, s1  }
0x7: {  	s4 =	sadd.s32 $0x20E00, s5;
	s25 =	smul.u32 $0x50000, s1;
	s30 =	sshll.u32 s1, $0x6  }
0x8: {  	s9 =	smul.u32 $0x2800, s8;
	_ =	strace $0x8000004D;
	s28 =	ssub.s32 $0x2, s8  }
0x9: {  	s8 =	sshll.u32 s8, $0x4;
	s11 =	sadd.s32 s6, s5;
	s12 =	sadd.s32 s7, s5  }
0xa: {  	s29 =	sshrl.u32 s28, $0x1;
	s6 =	sshrl.u32 s25, $0x2;
	s26 =	sadd.s32 s10, s9  }
0xb: {  	s9 =	ssub.s32 s28, s29;
	s14 =	sadd.s32 s6, s2;
	s6 =	sor.u32 $0x1C02, s30  }
0xc: {  	s31 =	sadd.s32 s8, s11;
	s7 =	sshll.u32 s26, $0x4;
	s8 =	smax.u32 s9, $0x1  }
0xd: {  	s9 =	sadd.s32 $0x17000, s12;
	s10 =	sadd.s32 $0x3600, s31;
	s11 =	sshrl.u32 s14, $0x3  }
0xe: {  	s12 =	simm.s32 $0x2;
	s14 =	simm.s32 $0x100;
	s13 =	sadd.s32 s7, s5  }
0xf: {  	s5 =	sadd.s32 s4, s7;
	s7 =	sadd.s32 $0x70E00, s13;
	s13 =	simm.s32 $0x80  }
.LBB2_1:
0x10: {  	[spmem:s11], [sflag:s6] =	dma.local [hbm:s5], $0x2800  }
0x11: {  	_ =	swait.ge [sflag:s12], $0x2800  }
0x12: {  	[sflag:s12] =	ssyncset.done $0x0  }
0x13: {  	[sflag:s12] =	ssyncadd.s32 $0xFFFFD800  }
0x14: {  	[bflag:$0x0] =	sbarrier.arrive $0xFFFF  }
0x15: {  	[tilespmem:s3], [sflag:$0x2] =	stream.linear.gather [hbm4b:s10+s3], $0x80, $0x38;
	[tilespmem:$0x18100] =	vst v63  }
0x16: {  	_ =	swait.ge [sflag:s12], $0x80  }
0x17: {  	[sflag:s12] =	ssyncset.done $0x0  }
0x18: {  	s17 =	sadd.s32 $0x0, s9;
	[sflag:s12] =	ssyncadd.s32 $0xFFFFFF80  }
0x19: {  	[tilespmem:s13], [sflag:$0x2] =	stream.linear.gather [hbm4b:s17+s3], $0x80, $0x38;
	[tilespmem:$0x18100] =	vst v63  }
0x1a: {  	_ =	swait.ge [sflag:s12], $0x80  }
0x1b: {  	[sflag:s12] =	ssyncset.done $0x0  }
0x1c: {  	[sflag:s12] =	ssyncadd.s32 $0xFFFFFF80  }
0x1d: {  	[tilespmem:s14], [sflag:$0x1] =	stream.indirect.gather [hbm4b:s4+s13], $0x80, s3, s13, $0xb8;
	[tilespmem:$0x18100] =	vst v63  }
0x1e: {  	_ =	swait.ge [sflag:s15], $0x4000  }
0x1f: {  	[sflag:s15] =	ssyncset.done $0x0  }
0x20: {  	[sflag:s15] =	ssyncadd.s32 $0xFFFFC000  }
0x21: {  	[spmem:s2] =	stream.indirect.scatter.add.f32 [tilespmem:s14], [sflag:$0x2], $0x80, s13, s13, $0xb8;
	[tilespmem:$0x18100] =	vst v63  }
0x22: {  	_ =	swait.ge [sflag:s12], $0x4000  }
0x23: {  	s18 =	smov.u32 s10;
	s17 =	simm.s32 $0x10;
	[sflag:s12] =	ssyncset.done $0x0  }
.LBB2_2:
0x24: {  	p0 =	sne.s32 s17, $0x9C0;
	[sflag:s12] =	ssyncadd.s32 $0xFFFFC000;
	s18 =	sadd.s32 $0x20, s18  }
0x25: {  	[tilespmem:s3], [sflag:$0x2] =	stream.linear.gather [hbm4b:s18+s3], $0x80, $0x38;
	[tilespmem:$0x18100] =	vst v63  }
0x26: {  	s19 =	smov.u32 s17;
	s17 =	sadd.s32 $0x10, s17;
	_ =	swait.ge [sflag:s12], $0x80  }
0x27: {  	[sflag:s12] =	ssyncset.done $0x0  }
0x28: {  	s19 =	sadd.s32 s19, s9;
	[sflag:s12] =	ssyncadd.s32 $0xFFFFFF80  }
0x29: {  	[tilespmem:s13], [sflag:$0x2] =	stream.linear.gather [hbm4b:s19+s3], $0x80, $0x38;
	[tilespmem:$0x18100] =	vst v63  }
0x2a: {  	_ =	swait.ge [sflag:s12], $0x80  }
0x2b: {  	[sflag:s12] =	ssyncset.done $0x0  }
0x2c: {  	[sflag:s12] =	ssyncadd.s32 $0xFFFFFF80  }
0x2d: {  	[tilespmem:s14], [sflag:$0x1] =	stream.indirect.gather [hbm4b:s4+s13], $0x80, s3, s13, $0xb8;
	[tilespmem:$0x18100] =	vst v63  }
0x2e: {  	_ =	swait.ge [sflag:s15], $0x4000  }
.Ltmp0:
0x2f: {  	[sflag:s15] =	ssyncset.done $0x0;
	(pc) =	sbr.rel @p0 .LBB2_2-.Ltmp0, $4  }
0x30: {  	[sflag:s15] =	ssyncadd.s32 $0xFFFFC000  }
0x31: {  	[spmem:s2] =	stream.indirect.scatter.add.f32 [tilespmem:s14], [sflag:$0x2], $0x80, s13, s13, $0xb8;
	[tilespmem:$0x18100] =	vst v63  }
0x32: {  	_ =	swait.ge [sflag:s12], $0x4000  }
0x33: {  	[sflag:s12] =	ssyncset.done $0x0  }
0x34: {  	s16 =	sadd.s32 $0x1, s16  }
0x35: {  	[sflag:s12] =	ssyncadd.s32 $0xFFFFC000;
	p0 =	sne.s32 s16, s8  }
.Ltmp1:
0x36: {  	[bflag:$0x0] =	sbarrier.arrive $0xFFFF;
	(pc) =	sbr.rel @p0 .LBB2_1-.Ltmp1, $4  }
0x37: {  	[hbm:s7], [sflag:s6] =	dma.local [spmem:s11], $0x2800  }
0x38: {  	_ =	swait.ge [sflag:s12], $0x2800  }
0x39: {  	[sflag:s12] =	ssyncset.done $0x0  }
0x3a: {  	[sflag:s12] =	ssyncadd.s32 $0xFFFFD800  }
0x3b: {  	_ =	sfence.sel $0x180000  }
0x3c: {  	[bflag:$0x0] =	sbarrier.arrive $0xFFFF  }
0x3d: {  	p0 =	sne.s32 s1, $0x0;
	_ =	strace $0x9000004D  }
0x3e: {  	s0 =	sadd.s32 @!p0 $0x100000, s0;
	[bflag:$0x2] =	sbarrier.arrive $0xFFFF  }
0x3f: {  	[sflag:s0] =	ssyncadd.tile.s32 @!p0 $0x1;
	_ =	shalt  }
.Lfunc_end2:
_tile_overlayer_lowered:
.L_overlay_start_2:
0x40: {  	(tag) =	ssettag $0x2  }
0x41: {  	s0 =	rddreg [dreg:$0x0];
	s2 =	stileid.u32  }
0x42: {  	s1 =	rddreg [dreg:$0x1];
	p0 =	sne.s32 s2, $0x0  }
0x43: {  	s3 =	rddreg [dreg:$0x2];
	[bflag:$0x3] =	sbarrier.arrive $0xFFFF;
	s2 =	simm.s32 @!p0 $0x1C02  }
0x44: {  	[timem:s3], [sflag:s2] =	dma.local @!p0 [hbm:s0], s1  }
0x45: {  	s0 =	simm.s32 @!p0 $0x2  }
0x46: {  	_ =	swait.ge @!p0 [sflag:s0], s1  }
0x47: {  	s1 =	ssub.s32 @!p0 $0x0, s1;
	[sflag:s0] =	ssyncset.done @!p0 $0x0  }
0x48: {  	[sflag:s0] =	ssyncadd.s32 @!p0 s1  }
0x49: {  	[bflag:$0x3] =	sbarrier.arrive $0xFFFF  }
0x4a: {  	_ =	shalt  }

// kernel: kernel.20.cloned.1.call-start
scs
__scs_entry_jumppad:
0x0: {  	(pc) =	sbr.rel $0x88, $3  }
0x1: {  	(tag) =	ssettag $0x0;
	lr =	simm.s32 $0x1  }
0x2: {  	[smem:$0x3F8E] =	sst lr;
	_ =	strace $0xD0000000  }
0x3: {  	_ = 	snop  }
0x4: {  	_ = 	snop  }
0x5: {  	_ = 	snop  }
0x6: {  	_ = 	snop  }
0x7: {  	_ = 	snop  }
__scs_overlays_trampoline_lowered:
0x8: {  	[smem:$0x3F9D] =	sst s0  }
0x9: {  	[smem:$0x3F9E] =	sst s1  }
0xa: {  	[smem:$0x3F9F] =	sst s2  }
0xb: {  	[smem:$0x3FA0] =	sst s3  }
0xc: {  	[smem:$0x3FA1] =	sst s4  }
0xd: {  	[smem:$0x3FA2] =	sst s5  }
0xe: {  	[smem:$0x3FA3] =	sst s6  }
0xf: {  	[smem:$0x3FA4] =	sst s7  }
0x10: {  	[smem:$0x3FA5] =	sst s8  }
0x11: {  	[smem:$0x3FA6] =	sst s9;
	s0 =	simm.s32 @!p0 $0x0  }
0x12: {  	s1 =	sld [smem:$0x3F8C];
	s0 =	simm.s32 @p0 $0x1  }
0x13: {  	[smem:$0x3FA7] =	sst s0;
	s0 =	simm.s32 @!p1 $0x0  }
0x14: {  	s2 =	sld [smem:$0x3F8B];
	s0 =	simm.s32 @p1 $0x1  }
0x15: {  	[smem:$0x3FA8] =	sst s0;
	s0 =	simm.s32 @!p2 $0x0  }
0x16: {  	s3 =	sld [smem:$0x3FDB];
	s0 =	simm.s32 @p2 $0x1  }
0x17: {  	s4 =	simm.s32 $0x1BF5;
	[smem:$0x3FAA] =	sst s0  }
0x18: {  	s0 =	sld [smem:$0x3F8D];
	_ =	swait.ge [sflag:s4], $0x0  }
0x19: {  	s7 =	sld [smem:$0x3F8E]  }
0x1a: {  	s8 =	sadd.s32 $0xFFFFE003, lr  }
0x1b: {  	s9 =	sadd.s32 $0xFFFFFEF7, lr;
	s5 =	simm.s32 $0xFFFFFFFF;
	p2 =	slt.u32 s8, $0xFFFFF086  }
0x1c: {  	p1 =	slt.u32 s9, $0xF7A;
	s5 =	simm.s32 @!p2 $0x0  }
0x1d: {  	s5 =	simm.s32 @p1 $0x1;
	p0 =	seq.s32 s7, s2  }
0x1e: {  	s7 =	smul.u32 @!p0 $0xF7A, s2;
	p2 =	seq.s32 @!p0 s5, $0x0  }
0x1f: {  	s9 =	smul.u32 $0xF7A, s1;
	s8 =	simm.s32 @!p0 $0x1BF5;
	p2 =	por !p2, p0  }
0x20: {  	[sflag:s8] =	ssyncset.s32 @!p0 $0xFFFFF086;
	s6 =	sadd.s32 @!p0 s3, s7;
	s7 =	simm.s32 @!p0 $0x108  }
0x21: {  	s3 =	sadd.s32 s3, s9;
	s6 =	sadd.s32 @!p0 $0x88, s6;
	s7 =	simm.s32 @p2 $0x1082  }
0x22: {  	[simem:s7], [sflag:s8] =	dma.local @!p0 [hbm:s6], $0xF7A  }
0x23: {  	s9 =	sor.u32 $0xD0000000, s2;
	s6 =	simm.s32 $0x108;
	_ =	swait.ge @!p0 [sflag:s8], $0x0  }
0x24: {  	s3 =	sadd.s32 $0x88, s3;
	s6 =	simm.s32 @!p1 $0x1082;
	[sflag:s4] =	ssyncset.s32 $0xFFFFF086  }
0x25: {  	[simem:s6], [sflag:s4] =	dma.local [hbm:s3], $0xF7A  }
0x26: {  	[smem:$0x3F8E] =	sst s1;
	(tag) =	ssettag s2;
	_ =	strace s9  }
0x27: {  	s1 =	sld [smem:$0x3F9E]  }
0x28: {  	s2 =	sld [smem:$0x3F9F]  }
0x29: {  	s4 =	sld [smem:$0x3FA1]  }
0x2a: {  	p0 =	seq.s32 s5, $0x0;
	s5 =	sld [smem:$0x3FA2]  }
0x2b: {  	s6 =	sld [smem:$0x3FA3]  }
0x2c: {  	s7 =	sld [smem:$0x3FA4]  }
0x2d: {  	s3 =	simm.s32 $0x108;
	s8 =	sld [smem:$0x3FA5]  }
0x2e: {  	s3 =	simm.s32 @!p0 $0x1082;
	s9 =	sld [smem:$0x3FA6]  }
0x2f: {  	lr =	sadd.s32 s0, s3;
	s0 =	sld [smem:$0x3F9D]  }
0x30: {  	s3 =	sld [smem:$0x3FA0]  }
0x31: {  	[smem:$0x3FA9] =	sst s10  }
0x32: {  	s10 =	sld [smem:$0x3FA7];
	_ =	sdelay $0x3  }
0x33: {  	p0 =	seq.s32 s10, $0x1;
	s10 =	sld [smem:$0x3FA9];
	_ =	sdelay $0x3  }
0x34: {  	[smem:$0x3FA9] =	sst s10  }
0x35: {  	s10 =	sld [smem:$0x3FA8];
	_ =	sdelay $0x3  }
0x36: {  	p1 =	seq.s32 s10, $0x1;
	s10 =	sld [smem:$0x3FA9];
	_ =	sdelay $0x3  }
0x37: {  	[smem:$0x3FA9] =	sst s10  }
0x38: {  	s10 =	sld [smem:$0x3FAA]  }
0x39: {  	_ = 	snop;
	(pc) =	sbr.ind lr, $3  }
0x3a: {  	_ = 	snop  }
0x3b: {  	_ = 	snop  }
0x3c: {  	p2 =	seq.s32 s10, $0x1;
	s10 =	sld [smem:$0x3FA9]  }
0x3d: {  	_ =	shalt  }
0x3e: {  	_ =	shalt  }
0x3f: {  	_ =	shalt  }
0x40: {  	_ =	shalt  }
0x41: {  	_ =	shalt  }
0x42: {  	_ =	shalt  }
0x43: {  	_ =	shalt  }
0x44: {  	_ =	shalt  }
0x45: {  	_ =	shalt  }
0x46: {  	_ =	shalt  }
0x47: {  	_ =	shalt  }
0x48: {  	_ =	shalt  }
0x49: {  	_ =	shalt  }
0x4a: {  	_ =	shalt  }
0x4b: {  	_ =	shalt  }
0x4c: {  	_ =	shalt  }
0x4d: {  	_ =	shalt  }
0x4e: {  	_ =	shalt  }
0x4f: {  	_ =	shalt  }
0x50: {  	_ =	shalt  }
0x51: {  	_ =	shalt  }
0x52: {  	_ =	shalt  }
0x53: {  	_ =	shalt  }
0x54: {  	_ =	shalt  }
0x55: {  	_ =	shalt  }
0x56: {  	_ =	shalt  }
0x57: {  	_ =	shalt  }
0x58: {  	_ =	shalt  }
0x59: {  	_ =	shalt  }
0x5a: {  	_ =	shalt  }
0x5b: {  	_ =	shalt  }
0x5c: {  	_ =	shalt  }
0x5d: {  	_ =	shalt  }
0x5e: {  	_ =	shalt  }
0x5f: {  	_ =	shalt  }
0x60: {  	_ =	shalt  }
0x61: {  	_ =	shalt  }
0x62: {  	_ =	shalt  }
0x63: {  	_ =	shalt  }
0x64: {  	_ =	shalt  }
0x65: {  	_ =	shalt  }
0x66: {  	_ =	shalt  }
0x67: {  	_ =	shalt  }
0x68: {  	_ =	shalt  }
0x69: {  	_ =	shalt  }
0x6a: {  	_ =	shalt  }
0x6b: {  	_ =	shalt  }
0x6c: {  	_ =	shalt  }
0x6d: {  	_ =	shalt  }
0x6e: {  	_ =	shalt  }
0x6f: {  	_ =	shalt  }
0x70: {  	_ =	shalt  }
0x71: {  	_ =	shalt  }
0x72: {  	_ =	shalt  }
0x73: {  	_ =	shalt  }
0x74: {  	_ =	shalt  }
0x75: {  	_ =	shalt  }
0x76: {  	_ =	shalt  }
0x77: {  	_ =	shalt  }
0x78: {  	_ =	shalt  }
0x79: {  	_ =	shalt  }
0x7a: {  	_ =	shalt  }
0x7b: {  	_ =	shalt  }
0x7c: {  	_ =	shalt  }
0x7d: {  	_ =	shalt  }
0x7e: {  	_ =	shalt  }
0x7f: {  	_ =	shalt  }
0x80: {  	_ =	shalt  }
0x81: {  	_ =	shalt  }
0x82: {  	_ =	shalt  }
0x83: {  	_ =	shalt  }
0x84: {  	_ =	shalt  }
0x85: {  	_ =	shalt  }
0x86: {  	_ =	shalt  }
0x87: {  	_ =	shalt  }
.Lfunc_end0:
.L_simem_size_0:
called_computation.3_lowered:
.L_overlay_start_0:
0x88: {  	s2 =	sld [smem:$0x3FD9]  }
0x89: {  	s3 =	sld [smem:$0x3FFE];
	_ =	sdelay $0x1  }
0x8a: {  	s1 =	srdreg.scid  }
0x8b: {  	s0 =	sand.u32 $0x1, s1  }
0x8c: {  	s16 =	sshll.u32 s0, $0xA;
	s2 =	sadd.s32 s3, s2  }
0x8d: {  	s2 =	sadd.s32 s2, s16  }
0x8e: {  	[smem:$0x3FB5] =	sst s2  }
0x8f: {  	_ = 	snop  }
0x90: {  	(tm) =	ssettm $0x1  }
0x91: {  	s17 =	sld [smem:$0x3FFB];
	_ =	sdelay $0x3  }
0x92: {  	_ =	strace s17  }
0x93: {  	s2 =	sld [smem:$0x3FFC];
	_ =	sdelay $0x3  }
0x94: {  	_ =	strace s2  }
0x95: {  	s2 =	sld [smem:$0x3FFD];
	_ =	sdelay $0x3  }
0x96: {  	_ =	strace s2  }
0x97: {  	_ =	strace $0x8FFFFFFF  }
0x98: {  	s18 =	sld [smem:$0x3FDB];
	_ =	sdelay $0x1  }
0x99: {  	s19 =	simm.s32 $_scs_section_size  }
0x9a: {  	s4 =	simm.s32 $_size__tile_overlayer_lowered;
	s5 =	simm.s32 $_tile_overlayer_lowered  }
0x9b: {  	s22 =	simm.s32 $0x1BFF;
	s21 =	sshll.u32 s5, $0x1;
	s2 =	sadd.s32 s19, s18  }
0x9c: {  	s6 =	simm.s32 $0x0;
	s20 =	sshll.u32 s4, $0x1;
	s4 =	sadd.s32 s21, s2  }
0x9d: {  	[timem:s6], [sflag:s22] =	dma.local [hbm:s4], s20  }
0x9e: {  	_ =	swait.ge [sflag:s22], s20  }
0x9f: {  	s3 =	ssub.s32 $0x0, s20;
	[sflag:s22] =	ssyncset.done $0x0  }
0xa0: {  	[sflag:s22] =	ssyncadd.s32 s3;
	_ =	sdelay $0x1  }
0xa1: {  	s23 =	simm.s32 $0x1B8B  }
0xa2: {  	_ =	swait.ge [sflag:s23], $0x1  }
0xa3: {  	[sflag:s23] =	ssyncset.done $0x0  }
0xa4: {  	s25 =	simm.s32 $0x1B8E;
	s24 =	sld [smem:$0x3FFE];
	[sflag:s23] =	ssyncadd.s32 $0xFFFFFFFF  }
0xa5: {  	s26 =	simm.s32 $execute0_lowered;
	[smem:$0x3FD2] =	sst s25  }
0xa6: {  	s4 =	sshll.u32 s26, $0x1;
	_ =	strace $0x8000004F;
	[dreg:$0x1] =	wrdreg $0xFFFFFFFF  }
0xa7: {  	s28 =	simm.s32 $_size_execute0_lowered;
	s2 =	sadd.s32 s2, s4;
	[dreg:$0x0] =	wrdreg $0x0  }
0xa8: {  	s4 =	sshll.u32 s28, $0x1;
	[dreg:$0x2] =	wrdreg s2  }
0xa9: {  	[dreg:$0x3] =	wrdreg s4  }
0xaa: {  	[dreg:$0x4] =	wrdreg $0xC0  }
0xab: {  	_ =	task [dreg:s6], $0x5FFFF  }
0xac: {  	[dreg:$0x1] =	wrdreg $0xFFFFFFFF  }
0xad: {  	[dreg:$0x0] =	wrdreg $0x60  }
0xae: {  	[dreg:$0x2] =	wrdreg s24  }
0xaf: {  	[dreg:$0x3] =	wrdreg $0x41000  }
0xb0: {  	[dreg:$0x4] =	wrdreg $0x9  }
0xb1: {  	_ =	task.clear_ibuf [dreg:s6], $0x5FFFF;
	_ =	strace $0x9000004F  }
0xb2: {  	s29 =	simm.s32 $0x9;
	_ =	strace $0x80000051  }
0xb3: {  	_ =	swait.ge [sflag:s29], $0x1  }
0xb4: {  	[sflag:s29] =	ssyncadd.s32 $0xFFFFFFFF  }
0xb5: {  	_ =	strace $0x90000051  }
0xb6: {  	_ =	sfence  }
0xb7: {  	s30 =	sld [smem:$0x0];
	_ =	sdelay $0x2  }
0xb8: {  	s31 =	sshll.u32 s1, $0xD;
	s1 =	sshrl.u32 s1, $0x2  }
0xb9: {  	s3 =	sand.u32 $0x4000, s31;
	s1 =	sadd.s32 s1, s30  }
0xba: {  	s0 =	sor.u32 s3, s0;
	s1 =	sshll.u32 s1, $0x11  }
0xbb: {  	s0 =	sor.u32 s1, s0  }
0xbc: {  	s0 =	sadd.s32 $0x8F2B, s0  }
0xbd: {  	[sflag:s0] =	ssyncadd.remote.s32 $0x1  }
0xbe: {  	_ =	sfence.sel $0xFFFF  }
0xbf: {  	[dreg:$0x0] =	wrdreg $0xFFFFFFFF;
	(pc) =	sbr.abs _section_cstart, $3  }
0xc0: {  	[dreg:$0x1] =	wrdreg $0xFFFFFFFF  }
0xc1: {  	_ =	task.clear_ibuf [dreg:s6], $0x2FFFF;
	_ =	strace $0x9FFFFFFF  }
0xc2: {  	(tm) =	ssettm $0x7FFFFFFF  }
0xc3: {  	_ =	shalt  }
tec
execute0_lowered:
.L_overlay_start_1:
0x0: {  	(tag) =	ssettag $0x1  }
0x1: {  	s5 =	rddreg [dreg:$0x0]  }
0x2: {  	s2 =	rddreg [dreg:$0x1]  }
0x3: {  	s0 =	rddreg [dreg:$0x2];
	s1 =	stileid.u32  }
0x4: {  	s4 =	srdreg.scid;
	s3 =	simm.s32 $0x0;
	s6 =	smul.u32 $0x13A0, s1  }
0x5: {  	s15 =	simm.s32 $0x1;
	s16 =	simm.s32 $0x0;
	s7 =	smul.u32 $0x9D0, s1  }
0x6: {  	s8 =	sand.u32 $0x1, s4;
	[smem:$0x7FF] =	sst s3;
	s10 =	smul.u32 $0x280, s1  }
0x7: {  	s4 =	sadd.s32 $0x20E00, s5;
	s25 =	smul.u32 $0x50000, s1;
	s30 =	sshll.u32 s1, $0x6  }
0x8: {  	s9 =	smul.u32 $0x2800, s8;
	_ =	strace $0x80000050;
	s28 =	ssub.s32 $0x2, s8  }
0x9: {  	s8 =	sshll.u32 s8, $0x4;
	s11 =	sadd.s32 s6, s5;
	s12 =	sadd.s32 s7, s5  }
0xa: {  	s29 =	sshrl.u32 s28, $0x1;
	s6 =	sshrl.u32 s25, $0x2;
	s26 =	sadd.s32 s10, s9  }
0xb: {  	s9 =	ssub.s32 s28, s29;
	s14 =	sadd.s32 s6, s2;
	s6 =	sor.u32 $0x1C02, s30  }
0xc: {  	s31 =	sadd.s32 s8, s11;
	s7 =	sshll.u32 s26, $0x4;
	s8 =	smax.u32 s9, $0x1  }
0xd: {  	s9 =	sadd.s32 $0x17000, s12;
	s10 =	sadd.s32 $0x3600, s31;
	s11 =	sshrl.u32 s14, $0x3  }
0xe: {  	s12 =	simm.s32 $0x2;
	s14 =	simm.s32 $0x100;
	s13 =	sadd.s32 s7, s5  }
0xf: {  	s5 =	sadd.s32 s4, s7;
	s7 =	sadd.s32 $0x70E00, s13;
	s13 =	simm.s32 $0x80  }
.LBB2_1:
0x10: {  	[spmem:s11], [sflag:s6] =	dma.local [hbm:s5], $0x2800  }
0x11: {  	_ =	swait.ge [sflag:s12], $0x2800  }
0x12: {  	[sflag:s12] =	ssyncset.done $0x0  }
0x13: {  	[sflag:s12] =	ssyncadd.s32 $0xFFFFD800  }
0x14: {  	[bflag:$0x0] =	sbarrier.arrive $0xFFFF  }
0x15: {  	[tilespmem:s3], [sflag:$0x2] =	stream.linear.gather [hbm4b:s10+s3], $0x80, $0x38;
	[tilespmem:$0x18100] =	vst v63  }
0x16: {  	_ =	swait.ge [sflag:s12], $0x80  }
0x17: {  	[sflag:s12] =	ssyncset.done $0x0  }
0x18: {  	s17 =	sadd.s32 $0x0, s9;
	[sflag:s12] =	ssyncadd.s32 $0xFFFFFF80  }
0x19: {  	[tilespmem:s13], [sflag:$0x2] =	stream.linear.gather [hbm4b:s17+s3], $0x80, $0x38;
	[tilespmem:$0x18100] =	vst v63  }
0x1a: {  	_ =	swait.ge [sflag:s12], $0x80  }
0x1b: {  	[sflag:s12] =	ssyncset.done $0x0  }
0x1c: {  	[sflag:s12] =	ssyncadd.s32 $0xFFFFFF80  }
0x1d: {  	[tilespmem:s14], [sflag:$0x1] =	stream.indirect.gather [hbm4b:s4+s13], $0x80, s3, s13, $0xb8;
	[tilespmem:$0x18100] =	vst v63  }
0x1e: {  	_ =	swait.ge [sflag:s15], $0x4000  }
0x1f: {  	[sflag:s15] =	ssyncset.done $0x0  }
0x20: {  	[sflag:s15] =	ssyncadd.s32 $0xFFFFC000  }
0x21: {  	[spmem:s2] =	stream.indirect.scatter.add.f32 [tilespmem:s14], [sflag:$0x2], $0x80, s13, s13, $0xb8;
	[tilespmem:$0x18100] =	vst v63  }
0x22: {  	_ =	swait.ge [sflag:s12], $0x4000  }
0x23: {  	s18 =	smov.u32 s10;
	s17 =	simm.s32 $0x10;
	[sflag:s12] =	ssyncset.done $0x0  }
.LBB2_2:
0x24: {  	p0 =	sne.s32 s17, $0x9C0;
	[sflag:s12] =	ssyncadd.s32 $0xFFFFC000;
	s18 =	sadd.s32 $0x20, s18  }
0x25: {  	[tilespmem:s3], [sflag:$0x2] =	stream.linear.gather [hbm4b:s18+s3], $0x80, $0x38;
	[tilespmem:$0x18100] =	vst v63  }
0x26: {  	s19 =	smov.u32 s17;
	s17 =	sadd.s32 $0x10, s17;
	_ =	swait.ge [sflag:s12], $0x80  }
0x27: {  	[sflag:s12] =	ssyncset.done $0x0  }
0x28: {  	s19 =	sadd.s32 s19, s9;
	[sflag:s12] =	ssyncadd.s32 $0xFFFFFF80  }
0x29: {  	[tilespmem:s13], [sflag:$0x2] =	stream.linear.gather [hbm4b:s19+s3], $0x80, $0x38;
	[tilespmem:$0x18100] =	vst v63  }
0x2a: {  	_ =	swait.ge [sflag:s12], $0x80  }
0x2b: {  	[sflag:s12] =	ssyncset.done $0x0  }
0x2c: {  	[sflag:s12] =	ssyncadd.s32 $0xFFFFFF80  }
0x2d: {  	[tilespmem:s14], [sflag:$0x1] =	stream.indirect.gather [hbm4b:s4+s13], $0x80, s3, s13, $0xb8;
	[tilespmem:$0x18100] =	vst v63  }
0x2e: {  	_ =	swait.ge [sflag:s15], $0x4000  }
.Ltmp0:
0x2f: {  	[sflag:s15] =	ssyncset.done $0x0;
	(pc) =	sbr.rel @p0 .LBB2_2-.Ltmp0, $4  }
0x30: {  	[sflag:s15] =	ssyncadd.s32 $0xFFFFC000  }
0x31: {  	[spmem:s2] =	stream.indirect.scatter.add.f32 [tilespmem:s14], [sflag:$0x2], $0x80, s13, s13, $0xb8;
	[tilespmem:$0x18100] =	vst v63  }
0x32: {  	_ =	swait.ge [sflag:s12], $0x4000  }
0x33: {  	[sflag:s12] =	ssyncset.done $0x0  }
0x34: {  	s16 =	sadd.s32 $0x1, s16  }
0x35: {  	[sflag:s12] =	ssyncadd.s32 $0xFFFFC000;
	p0 =	sne.s32 s16, s8  }
.Ltmp1:
0x36: {  	[bflag:$0x0] =	sbarrier.arrive $0xFFFF;
	(pc) =	sbr.rel @p0 .LBB2_1-.Ltmp1, $4  }
0x37: {  	[hbm:s7], [sflag:s6] =	dma.local [spmem:s11], $0x2800  }
0x38: {  	_ =	swait.ge [sflag:s12], $0x2800  }
0x39: {  	[sflag:s12] =	ssyncset.done $0x0  }
0x3a: {  	[sflag:s12] =	ssyncadd.s32 $0xFFFFD800  }
0x3b: {  	_ =	sfence.sel $0x180000  }
0x3c: {  	[bflag:$0x0] =	sbarrier.arrive $0xFFFF  }
0x3d: {  	p0 =	sne.s32 s1, $0x0;
	_ =	strace $0x90000050  }
0x3e: {  	s0 =	sadd.s32 @!p0 $0x100000, s0;
	[bflag:$0x2] =	sbarrier.arrive $0xFFFF  }
0x3f: {  	[sflag:s0] =	ssyncadd.tile.s32 @!p0 $0x1;
	_ =	shalt  }
.Lfunc_end2:
_tile_overlayer_lowered:
.L_overlay_start_2:
0x40: {  	(tag) =	ssettag $0x2  }
0x41: {  	s0 =	rddreg [dreg:$0x0];
	s2 =	stileid.u32  }
0x42: {  	s1 =	rddreg [dreg:$0x1];
	p0 =	sne.s32 s2, $0x0  }
0x43: {  	s3 =	rddreg [dreg:$0x2];
	[bflag:$0x3] =	sbarrier.arrive $0xFFFF;
	s2 =	simm.s32 @!p0 $0x1C02  }
0x44: {  	[timem:s3], [sflag:s2] =	dma.local @!p0 [hbm:s0], s1  }
0x45: {  	s0 =	simm.s32 @!p0 $0x2  }
0x46: {  	_ =	swait.ge @!p0 [sflag:s0], s1  }
0x47: {  	s1 =	ssub.s32 @!p0 $0x0, s1;
	[sflag:s0] =	ssyncset.done @!p0 $0x0  }
0x48: {  	[sflag:s0] =	ssyncadd.s32 @!p0 s1  }
0x49: {  	[bflag:$0x3] =	sbarrier.arrive $0xFFFF  }
0x4a: {  	_ =	shalt  }

</sc_bundles>
